<compile_context>
chip_gen: v7x
topology: tpu7x:2x2x1
jax: 0.10.2.dev20260603
libtpu: 0.0.44.dev20260713+nightly
codegen_flags: <defaults>
</compile_context>

<pallas_src>
import functools

import jax
import jax.numpy as jnp
from jax import lax
from jax.experimental import pallas as pl
from jax.experimental.pallas import tpu as pltpu
from jax.experimental.pallas import tpu_sc as plsc

_H, _I, _E = 1024, 512, 8
_T = 2048
_Q = 4
_CAP = _T // _Q
_NREG = _E * _Q
_TILE = 128
_GRID = 64
_CH = 64
_NCHUNK = 2 * _GRID
_NSRC = _NREG * (_CAP // _CH)
_NROW = _NCHUNK * _CH


def _router_body(x_ref, gate_ref, logits_ref, aux_ref, cnts_ref):
    x = x_ref[...]
    gate = gate_ref[...]
    logits = lax.dot_general(x, gate, (((1,), (1,)), ((), ())),
                             preferred_element_type=jnp.float32)
    logits_ref[...] = logits
    lt = lax.dot_general(gate, x, (((1,), (1,)), ((), ())),
                         preferred_element_type=jnp.float32)
    m = jnp.max(lt, axis=0, keepdims=True)
    ex = jnp.exp(lt - m)
    p = ex / jnp.sum(ex, axis=0, keepdims=True)
    ii = lax.broadcasted_iota(jnp.int32, (_E, _T), 0)
    tri = (lax.broadcasted_iota(jnp.int32, (_E, _E), 0)
           >= lax.broadcasted_iota(jnp.int32, (_E, _E), 1)).astype(jnp.float32)
    m1 = jnp.max(p, axis=0, keepdims=True)
    sel1 = (p == m1).astype(jnp.float32)
    c1 = lax.dot_general(tri, sel1, (((1,), (0,)), ((), ())),
                         preferred_element_type=jnp.float32)
    oh1 = (sel1 > 0.0) & (c1 == 1.0)
    p2 = jnp.where(oh1, -1.0, p)
    m2 = jnp.max(p2, axis=0, keepdims=True)
    sel2 = (p2 == m2).astype(jnp.float32)
    c2 = lax.dot_general(tri, sel2, (((1,), (0,)), ((), ())),
                         preferred_element_type=jnp.float32)
    oh2 = (sel2 > 0.0) & (c2 == 1.0)
    e1 = jnp.sum(jnp.where(oh1, ii, 0), axis=0, keepdims=True).astype(jnp.float32)
    e2 = jnp.sum(jnp.where(oh2, ii, 0), axis=0, keepdims=True).astype(jnp.float32)
    s = m1 + m2
    w1 = m1 / s
    w2 = m2 / s
    r = lax.broadcasted_iota(jnp.int32, (_E, _T), 0)
    aux = jnp.where(r == 0, e1,
                    jnp.where(r == 1, e2,
                              jnp.where(r == 2, w1,
                                        jnp.where(r == 3, w2, 0.0))))
    aux_ref[...] = aux
    qmask = (lax.broadcasted_iota(jnp.int32, (_T, _Q), 0) // _CAP
             == lax.broadcasted_iota(jnp.int32, (_T, _Q), 1)).astype(jnp.float32)
    ohsum = oh1.astype(jnp.float32) + oh2.astype(jnp.float32)
    counts_eq = lax.dot_general(ohsum, qmask, (((1,), (0,)), ((), ())),
                                preferred_element_type=jnp.float32)
    sel_re = (lax.broadcasted_iota(jnp.int32, (_NREG, _E), 0) // _Q
              == lax.broadcasted_iota(jnp.int32, (_NREG, _E), 1)).astype(jnp.float32)
    a_rq = lax.dot_general(sel_re, counts_eq, (((1,), (0,)), ((), ())),
                           preferred_element_type=jnp.float32)
    qsel = (lax.broadcasted_iota(jnp.int32, (_NREG, _Q), 1)
            == lax.rem(lax.broadcasted_iota(jnp.int32, (_NREG, _Q), 0), _Q))
    picked = jnp.sum(jnp.where(qsel, a_rq, 0.0), axis=1, keepdims=True)
    cnts_ref[...] = jnp.broadcast_to(picked, (_NREG, 128))


def _router(x, gate_w):
    return pl.pallas_call(
        _router_body,
        out_shape=[jax.ShapeDtypeStruct((_T, _E), jnp.float32),
                   jax.ShapeDtypeStruct((_E, _T), jnp.float32),
                   jax.ShapeDtypeStruct((_NREG, 128), jnp.float32)],
    )(x, gate_w)


def _compact_body(cnt_ref, aux_ref, tok_ref, w_ref, posq_ref):
    g = pl.program_id(0)
    ef = g.astype(jnp.float32)
    cnti = cnt_ref[...][:, 0:1].astype(jnp.int32)
    ntf = ((cnti + _TILE - 1) // _TILE).astype(jnp.float32)
    tri_s = (lax.broadcasted_iota(jnp.int32, (_NREG, _NREG), 0)
             > lax.broadcasted_iota(jnp.int32, (_NREG, _NREG), 1)).astype(jnp.float32)
    tstart = lax.dot_general(tri_s, ntf, (((1,), (0,)), ((), ())),
                             preferred_element_type=jnp.float32)
    ridc = lax.broadcasted_iota(jnp.int32, (_NREG, 1), 0)

    @pl.when(g == 0)
    def _init():
        posq_ref[...] = jnp.zeros((2, _T), jnp.float32)

    up = (lax.broadcasted_iota(jnp.int32, (_CAP, _CAP), 0)
          <= lax.broadcasted_iota(jnp.int32, (_CAP, _CAP), 1)).astype(jnp.float32)
    pp1 = (lax.broadcasted_iota(jnp.int32, (_CAP, _CAP), 0) + 1).astype(jnp.float32)
    for q in range(_Q):
        cs = q * _CAP
        ev1 = aux_ref[0:1, pl.ds(cs, _CAP)]
        ev2 = aux_ref[1:2, pl.ds(cs, _CAP)]
        wv1 = aux_ref[2:3, pl.ds(cs, _CAP)]
        wv2 = aux_ref[3:4, pl.ds(cs, _CAP)]
        ind1 = ev1 == ef
        ind2 = ev2 == ef
        indf = (ind1 | ind2).astype(jnp.float32)
        wv = jnp.where(ind1, wv1, 0.0) + jnp.where(ind2, wv2, 0.0)
        cin = lax.dot_general(indf, up, (((1,), (0,)), ((), ())),
                              preferred_element_type=jnp.float32)
        mmat = ((jnp.broadcast_to(cin, (_CAP, _CAP)) == pp1)
                & (jnp.broadcast_to(indf, (_CAP, _CAP)) > 0.0)).astype(jnp.float32)
        tokvals = (cs + lax.broadcasted_iota(jnp.int32, (1, _CAP), 1)
                   ).astype(jnp.float32)
        tok_ref[0, q, :] = lax.dot_general(
            tokvals, mmat, (((1,), (1,)), ((), ())),
            preferred_element_type=jnp.float32)[0]
        w_ref[0, q, :] = lax.dot_general(
            wv, mmat, (((1,), (1,)), ((), ())),
            preferred_element_type=jnp.float32)[0]
        r = g * _Q + q
        tsr = jnp.sum(jnp.where(ridc == r, tstart, 0.0))
        gpos = tsr * _TILE + cin - 1.0
        posq_ref[0:1, pl.ds(cs, _CAP)] += jnp.where(ind1, gpos, 0.0)
        posq_ref[1:2, pl.ds(cs, _CAP)] += jnp.where(ind2, gpos, 0.0)


def _compact(cnts, aux):
    return pl.pallas_call(
        _compact_body,
        grid=(_E,),
        in_specs=[pl.BlockSpec((_NREG, 128), lambda g: (0, 0)),
                  pl.BlockSpec((_E, _T), lambda g: (0, 0))],
        out_specs=[pl.BlockSpec((1, _Q, _CAP), lambda g: (g, 0, 0)),
                   pl.BlockSpec((1, _Q, _CAP), lambda g: (g, 0, 0)),
                   pl.BlockSpec((2, _T), lambda g: (0, 0))],
        out_shape=[jax.ShapeDtypeStruct((_E, _Q, _CAP), jnp.float32),
                   jax.ShapeDtypeStruct((_E, _Q, _CAP), jnp.float32),
                   jax.ShapeDtypeStruct((2, _T), jnp.float32)],
        compiler_params=pltpu.CompilerParams(
            dimension_semantics=("arbitrary",)),
    )(cnts, aux)


def _sched_body(cnt_ref, tok64_ref, w64_ref,
                act_ref, eid_ref, tokq_ref, wq_ref):
    cnti = cnt_ref[...][:, 0:1].astype(jnp.int32)
    ntile = (cnti + _TILE - 1) // _TILE
    ntf = ntile.astype(jnp.float32)
    tri_s = (lax.broadcasted_iota(jnp.int32, (_NREG, _NREG), 0)
             > lax.broadcasted_iota(jnp.int32, (_NREG, _NREG), 1)).astype(jnp.float32)
    tstart = lax.dot_general(tri_s, ntf, (((1,), (0,)), ((), ())),
                             preferred_element_type=jnp.float32)
    nact = jnp.sum(ntf)
    si = lax.broadcasted_iota(jnp.int32, (1, _GRID), 1).astype(jnp.float32)
    act = si < nact
    srow = jnp.broadcast_to(si, (_NREG, _GRID))
    ms = ((jnp.broadcast_to(tstart, (_NREG, _GRID)) <= srow)
          & (srow < jnp.broadcast_to(tstart + ntf, (_NREG, _GRID)))
          ).astype(jnp.float32)
    rcol = lax.broadcasted_iota(jnp.int32, (_NREG, 1), 0).astype(jnp.float32)
    rid = lax.dot_general(rcol, ms, (((0,), (0,)), ((), ())),
                          preferred_element_type=jnp.float32)
    ts_s = lax.dot_general(tstart, ms, (((0,), (0,)), ((), ())),
                           preferred_element_type=jnp.float32)
    kof = si - ts_s
    act_ref[...] = act.astype(jnp.int32)
    eid_ref[...] = jnp.where(act, rid / _Q, 0.0).astype(jnp.int32)
    gi = lax.broadcasted_iota(jnp.int32, (1, _NCHUNK), 1)
    ex = (lax.broadcasted_iota(jnp.int32, (_GRID, _NCHUNK), 0)
          == (lax.broadcasted_iota(jnp.int32, (_GRID, _NCHUNK), 1) // 2)
          ).astype(jnp.float32)
    rid_g = lax.dot_general(rid, ex, (((1,), (0,)), ((), ())),
                            preferred_element_type=jnp.float32)
    kof_g = lax.dot_general(kof, ex, (((1,), (0,)), ((), ())),
                            preferred_element_type=jnp.float32)
    act_g = lax.dot_general(act.astype(jnp.float32), ex,
                            (((1,), (0,)), ((), ())),
                            preferred_element_type=jnp.float32)
    hrow = lax.rem(gi, 2).astype(jnp.float32)
    cs_g = rid_g * (_CAP // _CH) + kof_g * 2 + hrow
    eye = (lax.broadcasted_iota(jnp.int32, (_NCHUNK, _NCHUNK), 0)
           == lax.broadcasted_iota(jnp.int32, (_NCHUNK, _NCHUNK), 1)
           ).astype(jnp.float32)
    cs_col = lax.dot_general(eye, cs_g, (((1,), (1,)), ((), ())),
                             preferred_element_type=jnp.float32)
    act_col = lax.dot_general(eye, act_g, (((1,), (1,)), ((), ())),
                              preferred_element_type=jnp.float32)
    qm = ((jnp.broadcast_to(cs_col, (_NCHUNK, _NSRC))
           == lax.broadcasted_iota(jnp.int32, (_NCHUNK, _NSRC), 1)
           .astype(jnp.float32))
          & (jnp.broadcast_to(act_col, (_NCHUNK, _NSRC)) > 0.0)
          ).astype(jnp.float32)
    tokq_ref[...] = lax.dot_general(
        qm, tok64_ref[...], (((1,), (0,)), ((), ())),
        preferred_element_type=jnp.float32).astype(jnp.int32)
    wq_ref[...] = lax.dot_general(
        qm, w64_ref[...], (((1,), (0,)), ((), ())),
        preferred_element_type=jnp.float32)


def _sched(cnts, tok64, w64):
    return pl.pallas_call(
        _sched_body,
        out_shape=[jax.ShapeDtypeStruct((1, _GRID), jnp.int32),
                   jax.ShapeDtypeStruct((1, _GRID), jnp.int32),
                   jax.ShapeDtypeStruct((_NCHUNK, _CH), jnp.int32),
                   jax.ShapeDtypeStruct((_NCHUNK, _CH), jnp.float32)],
    )(cnts, tok64, w64)


def _dispatch_body(x_hbm, tokq_hbm, xs_hbm, idx_v, rows_v, sem):
    c = lax.axis_index("c")
    s = lax.axis_index("s")
    wid = s * 2 + c
    for i in range(_NCHUNK // _NREG):
        g = wid * (_NCHUNK // _NREG) + i
        gbase = pl.multiple_of(g * _CH, _CH)
        pltpu.sync_copy(tokq_hbm.at[pl.ds(gbase, _CH)], idx_v)
        pltpu.async_copy(x_hbm.at[idx_v], rows_v, sem).wait()
        pltpu.sync_copy(rows_v, xs_hbm.at[pl.ds(gbase, _CH)])


def _dispatch(x, tokq_flat):
    mesh = plsc.VectorSubcoreMesh(core_axis_name="c", subcore_axis_name="s")
    f = pl.kernel(
        _dispatch_body,
        out_type=jax.ShapeDtypeStruct((_NROW, _H), jnp.float32),
        mesh=mesh,
        scratch_types=[
            pltpu.VMEM((_CH,), jnp.int32),
            pltpu.VMEM((_CH, _H), jnp.float32),
            pltpu.SemaphoreType.DMA,
        ],
    )
    return f(x, tokq_flat)


def _ffn_body(act_sm, eid_sm, xs_ref, w13_ref, w2_ref, wrow_ref, y_ref):
    i = pl.program_id(0)

    @pl.when(act_sm[0, i] > 0)
    def _():
        xb = xs_ref[...]
        h = lax.dot_general(xb, w13_ref[0], (((1,), (1,)), ((), ())),
                            preferred_element_type=jnp.float32)
        g = h[:, :_I]
        u = h[:, _I:]
        act = (g / (1.0 + jnp.exp(-g))) * u
        y = lax.dot_general(act, w2_ref[0], (((1,), (1,)), ((), ())),
                            preferred_element_type=jnp.float32)
        wb = jnp.broadcast_to(wrow_ref[0], (_TILE, _TILE))
        iir = lax.broadcasted_iota(jnp.int32, (_TILE, _TILE), 0)
        iic = lax.broadcasted_iota(jnp.int32, (_TILE, _TILE), 1)
        diag = jnp.where(iir == iic, wb, 0.0)
        y_ref[...] = lax.dot_general(diag, y, (((1,), (0,)), ((), ())),
                                     preferred_element_type=jnp.float32)

    @pl.when(act_sm[0, i] == 0)
    def _z():
        y_ref[...] = jnp.zeros((_TILE, _H), jnp.float32)


def _ffn(act, eid, xs, w13, w2, wrow):
    grid_spec = pltpu.PrefetchScalarGridSpec(
        num_scalar_prefetch=2,
        grid=(_GRID,),
        in_specs=[
            pl.BlockSpec((_TILE, _H), lambda i, a, ee: (i, 0)),
            pl.BlockSpec((1, 2 * _I, _H), lambda i, a, ee: (ee[0, i], 0, 0)),
            pl.BlockSpec((1, _H, _I), lambda i, a, ee: (ee[0, i], 0, 0)),
            pl.BlockSpec((1, 1, _TILE), lambda i, a, ee: (i, 0, 0)),
        ],
        out_specs=pl.BlockSpec((_TILE, _H), lambda i, a, ee: (i, 0)),
    )
    return pl.pallas_call(
        _ffn_body,
        grid_spec=grid_spec,
        out_shape=jax.ShapeDtypeStruct((_NROW, _H), jnp.float32),
        compiler_params=pltpu.CompilerParams(
            dimension_semantics=("arbitrary",)),
    )(act, eid, xs, w13, w2, wrow)


_TPW = _T // _NREG
_TPP = _TPW // 2


def _combine_body(y_hbm, pos_hbm, out_hbm, i1_v, i2_v, r1_v, r2_v, sem):
    c = lax.axis_index("c")
    s = lax.axis_index("s")
    wid = s * 2 + c
    for p in range(2):
        tr = pl.multiple_of(wid * _TPW + p * _TPP, _TPP)
        pltpu.sync_copy(pos_hbm.at[pl.ds(tr, _TPP)], i1_v)
        pltpu.sync_copy(pos_hbm.at[pl.ds(_T + tr, _TPP)], i2_v)
        pltpu.async_copy(y_hbm.at[i1_v], r1_v, sem).wait()
        pltpu.async_copy(y_hbm.at[i2_v], r2_v, sem).wait()

        def _add(i, z):
            row = i // (_H // 16)
            col = lax.rem(i, _H // 16)
            r1_v[row, pl.ds(col * 16, 16)] = (
                r1_v[row, pl.ds(col * 16, 16)]
                + r2_v[row, pl.ds(col * 16, 16)])
            return z
        lax.fori_loop(0, _TPP * (_H // 16), _add, 0)
        pltpu.sync_copy(r1_v, out_hbm.at[pl.ds(tr, _TPP)])


def _combine(y, pos_flat):
    mesh = plsc.VectorSubcoreMesh(core_axis_name="c", subcore_axis_name="s")
    f = pl.kernel(
        _combine_body,
        out_type=jax.ShapeDtypeStruct((_T, _H), jnp.float32),
        mesh=mesh,
        scratch_types=[
            pltpu.VMEM((_TPP,), jnp.int32),
            pltpu.VMEM((_TPP,), jnp.int32),
            pltpu.VMEM((_TPP, _H), jnp.float32),
            pltpu.VMEM((_TPP, _H), jnp.float32),
            pltpu.SemaphoreType.DMA,
        ],
    )
    return f(y, pos_flat)


def kernel(hidden_states, gate_w, w13, w2):
    orig = hidden_states.shape
    x = hidden_states.reshape(-1, orig[-1])
    logits, aux, cnts = _router(x, gate_w)
    tok2d, w2d, posq = _compact(cnts, aux)
    tok64 = tok2d.reshape(_NSRC, _CH)
    w64 = w2d.reshape(_NSRC, _CH)
    act, eid, tokq, wq = _sched(cnts, tok64, w64)
    tokq_flat = tokq.reshape(_NROW)
    wrow = wq.reshape(_GRID, 1, _TILE)
    xs = _dispatch(x, tokq_flat)
    y = _ffn(act, eid, xs, w13, w2, wrow)
    out = y[:_T]
    return out.reshape(orig), logits

# --- scband reference (transcript-rebuilt; emitter-appended) ---
"""Pipeline reference for scband-fused-mo-e-12412455485616 (READ-ONLY COPY).

The authoritative reference and input builder live on the scoring server;
editing this copy changes nothing except your own understanding.
"""

import jax, jax.numpy as jnp
import numpy as np

H, I, E, TOP_K = 1024, 512, 8, 2

def setup_inputs(seed: int = 0):
    key = jax.random.key(seed)
    k1, k2, k3, k4 = jax.random.split(key, 4)
    hidden_states = jax.random.normal(k1, (1, 2048, H), dtype=jnp.float32)
    gate_w = jax.random.normal(k2, (E, H), dtype=jnp.float32) * (H ** -0.5)
    w13 = jax.random.normal(k3, (E, 2 * I, H), dtype=jnp.float32) * (H ** -0.5)
    w2 = jax.random.normal(k4, (E, H, I), dtype=jnp.float32) * (I ** -0.5)
    return {"hidden_states": hidden_states, "gate_w": gate_w, "w13": w13, "w2": w2}

def reference(hidden_states, gate_w, w13, w2):
    orig = hidden_states.shape
    x = hidden_states.reshape(-1, orig[-1])
    # gate (ReplicatedLinear, no bias)
    router_logits = x @ gate_w.T
    # trivial top-k router: softmax scoring + renormalize
    probs = jax.nn.softmax(router_logits, axis=-1)
    topk_vals, topk_idx = jax.lax.top_k(probs, TOP_K)
    topk_vals = topk_vals / jnp.sum(topk_vals, axis=-1, keepdims=True)
    # combine weights per expert [T, E]
    onehot = jax.nn.one_hot(topk_idx, E, dtype=x.dtype)
    comb = jnp.sum(topk_vals[..., None] * onehot, axis=1)
    # expert MLPs: gated silu (w13 packs gate_proj then up_proj)
    h = jnp.einsum('th,eih->eti', x, w13)
    act = jax.nn.silu(h[:, :, :I]) * h[:, :, I:]
    y = jnp.einsum('eti,ehi->eth', act, w2)
    # dispatcher.combine: weighted sum over selected experts
    out = jnp.einsum('te,eth->th', comb, y)
    return out.reshape(orig), router_logits

if __name__ == "__main__":
    import jax
    _d = setup_inputs()
    print(jax.jit(kernel)(*tuple(_d.values())))

</pallas_src>

<mosaic_0001>
#map = affine_map<(d0, d1) -> (0, 0)>
#map1 = affine_map<(d0, d1) -> (0)>
module attributes {stable_mosaic.version = 14 : i64} {
  func.func @_dispatch_body(%arg0: i32, %arg1: i32, %arg2: memref<2048x1024xf32, #tpu.memory_space<hbm>>, %arg3: memref<8192xi32, #tpu.memory_space<hbm>>, %arg4: memref<8192x1024xf32, #tpu.memory_space<hbm>>, %arg5: memref<64xi32, #tpu.memory_space<vmem>>, %arg6: memref<64x1024xf32, #tpu.memory_space<vmem>>, %arg7: memref<!tpu.dma_semaphore, #tpu.memory_space<semaphore_mem>>) attributes {dimension_semantics = [#tpu.dimension_semantics<core_parallel>, #tpu.dimension_semantics<subcore_parallel>], iteration_bounds = array<i64: 2, 16>, scalar_prefetch = 0 : i64, scratch_operands = 3 : i64, tpu.core_type = #tpu.core_type<sc_vector_subcore>, window_params = [{transform_indices = #map}, {transform_indices = #map1}, {transform_indices = #map}]} {
    %mul3A = arith.constant 2 : i32
    %mul3A_0 = arith.muli %arg1, %mul3A : i32
    %add3A = arith.addi %mul3A_0, %arg0 : i32
    %mul3A_1 = arith.constant 4 : i32
    %mul3A_2 = arith.muli %add3A, %mul3A_1 : i32
    %add3A_3 = arith.constant 0 : i32
    %add3A_4 = arith.addi %mul3A_2, %add3A_3 : i32
    %mul3A_5 = arith.constant 64 : i32
    %mul3A_6 = arith.muli %add3A_4, %mul3A_5 : i32
    %multiple_of3A = tpu.assume_multiple %mul3A_6, 64 : i32
    "tpu.region"() ({
      %run_scoped3A = tpu.sem_alloc : memref<!tpu.dma_semaphore, #tpu.memory_space<semaphore_mem>>
      %dma_start3A_50 = tpu.memref_slice %arg3[%multiple_of3A] : memref<8192xi32, #tpu.memory_space<hbm>> -> memref<64xi32, #tpu.memory_space<hbm>>
      %dma_start3A_51 = tpu.memref_slice %arg3[%multiple_of3A] : memref<8192xi32, #tpu.memory_space<hbm>> -> memref<64xi32, #tpu.memory_space<hbm>>
      tpu.enqueue_dma source(%dma_start3A_51 : memref<64xi32, #tpu.memory_space<hbm>>) target(%arg5 : memref<64xi32, #tpu.memory_space<vmem>>) target_semaphore(%run_scoped3A : memref<!tpu.dma_semaphore, #tpu.memory_space<semaphore_mem>>)
      %dma_wait3A_52 = tpu.memref_slice %arg3[%multiple_of3A] : memref<8192xi32, #tpu.memory_space<hbm>> -> memref<64xi32, #tpu.memory_space<hbm>>
      %dma_wait3A_53 = tpu.memref_slice %arg3[%multiple_of3A] : memref<8192xi32, #tpu.memory_space<hbm>> -> memref<64xi32, #tpu.memory_space<hbm>>
      tpu.wait_dma2 semaphore(%run_scoped3A : memref<!tpu.dma_semaphore, #tpu.memory_space<semaphore_mem>>) src(%dma_wait3A_53 : memref<64xi32, #tpu.memory_space<hbm>>) dst(%arg5 : memref<64xi32, #tpu.memory_space<vmem>>)
      tpu.yield
    }) : () -> ()
    %dma_start3A = arith.constant 0 : i32
    %dma_start3A_7 = arith.constant 0 : i32
    %dma_start3A_8 = tpu.memref_slice %arg2[%dma_start3A, %dma_start3A_7] : memref<2048x1024xf32, #tpu.memory_space<hbm>> -> memref<2048x1024xf32, #tpu.memory_space<hbm>>
    tpu.enqueue_indirect_dma source(%dma_start3A_8 : memref<2048x1024xf32, #tpu.memory_space<hbm>>) target(%arg6 : memref<64x1024xf32, #tpu.memory_space<vmem>>) offsets(%arg5 : memref<64xi32, #tpu.memory_space<vmem>>) semaphore(%arg7 : memref<!tpu.dma_semaphore, #tpu.memory_space<semaphore_mem>>)
    %dma_wait3A = arith.constant 0 : i32
    %dma_wait3A_9 = arith.constant 0 : i32
    %dma_wait3A_10 = tpu.memref_slice %arg2[%dma_wait3A, %dma_wait3A_9] : memref<2048x1024xf32, #tpu.memory_space<hbm>> -> memref<2048x1024xf32, #tpu.memory_space<hbm>>
    tpu.wait_indirect_dma semaphore(%arg7 : memref<!tpu.dma_semaphore, #tpu.memory_space<semaphore_mem>>) src(%dma_wait3A_10 : memref<2048x1024xf32, #tpu.memory_space<hbm>>) dst(%arg6 : memref<64x1024xf32, #tpu.memory_space<vmem>>)
    "tpu.region"() ({
      %run_scoped3A = tpu.sem_alloc : memref<!tpu.dma_semaphore, #tpu.memory_space<semaphore_mem>>
      %dma_start3A_50 = arith.constant 0 : i32
      %dma_start3A_51 = tpu.memref_slice %arg4[%multiple_of3A, %dma_start3A_50] : memref<8192x1024xf32, #tpu.memory_space<hbm>> -> memref<64x1024xf32, #tpu.memory_space<hbm>>
      %dma_start3A_52 = arith.constant 0 : i32
      %dma_start3A_53 = tpu.memref_slice %arg4[%multiple_of3A, %dma_start3A_52] : memref<8192x1024xf32, #tpu.memory_space<hbm>> -> memref<64x1024xf32, #tpu.memory_space<hbm>>
      tpu.enqueue_dma source(%arg6 : memref<64x1024xf32, #tpu.memory_space<vmem>>) target(%dma_start3A_53 : memref<64x1024xf32, #tpu.memory_space<hbm>>) target_semaphore(%run_scoped3A : memref<!tpu.dma_semaphore, #tpu.memory_space<semaphore_mem>>)
      %dma_wait3A_54 = arith.constant 0 : i32
      %dma_wait3A_55 = tpu.memref_slice %arg4[%multiple_of3A, %dma_wait3A_54] : memref<8192x1024xf32, #tpu.memory_space<hbm>> -> memref<64x1024xf32, #tpu.memory_space<hbm>>
      %dma_wait3A_56 = arith.constant 0 : i32
      %dma_wait3A_57 = tpu.memref_slice %arg4[%multiple_of3A, %dma_wait3A_56] : memref<8192x1024xf32, #tpu.memory_space<hbm>> -> memref<64x1024xf32, #tpu.memory_space<hbm>>
      tpu.wait_dma2 semaphore(%run_scoped3A : memref<!tpu.dma_semaphore, #tpu.memory_space<semaphore_mem>>) src(%arg6 : memref<64x1024xf32, #tpu.memory_space<vmem>>) dst(%dma_wait3A_57 : memref<64x1024xf32, #tpu.memory_space<hbm>>)
      tpu.yield
    }) : () -> ()
    %mul3A_11 = arith.constant 4 : i32
    %mul3A_12 = arith.muli %add3A, %mul3A_11 : i32
    %add3A_13 = arith.constant 1 : i32
    %add3A_14 = arith.addi %mul3A_12, %add3A_13 : i32
    %mul3A_15 = arith.constant 64 : i32
    %mul3A_16 = arith.muli %add3A_14, %mul3A_15 : i32
    %multiple_of3A_17 = tpu.assume_multiple %mul3A_16, 64 : i32
    "tpu.region"() ({
      %run_scoped3A = tpu.sem_alloc : memref<!tpu.dma_semaphore, #tpu.memory_space<semaphore_mem>>
      %dma_start3A_50 = tpu.memref_slice %arg3[%multiple_of3A_17] : memref<8192xi32, #tpu.memory_space<hbm>> -> memref<64xi32, #tpu.memory_space<hbm>>
      %dma_start3A_51 = tpu.memref_slice %arg3[%multiple_of3A_17] : memref<8192xi32, #tpu.memory_space<hbm>> -> memref<64xi32, #tpu.memory_space<hbm>>
      tpu.enqueue_dma source(%dma_start3A_51 : memref<64xi32, #tpu.memory_space<hbm>>) target(%arg5 : memref<64xi32, #tpu.memory_space<vmem>>) target_semaphore(%run_scoped3A : memref<!tpu.dma_semaphore, #tpu.memory_space<semaphore_mem>>)
      %dma_wait3A_52 = tpu.memref_slice %arg3[%multiple_of3A_17] : memref<8192xi32, #tpu.memory_space<hbm>> -> memref<64xi32, #tpu.memory_space<hbm>>
      %dma_wait3A_53 = tpu.memref_slice %arg3[%multiple_of3A_17] : memref<8192xi32, #tpu.memory_space<hbm>> -> memref<64xi32, #tpu.memory_space<hbm>>
      tpu.wait_dma2 semaphore(%run_scoped3A : memref<!tpu.dma_semaphore, #tpu.memory_space<semaphore_mem>>) src(%dma_wait3A_53 : memref<64xi32, #tpu.memory_space<hbm>>) dst(%arg5 : memref<64xi32, #tpu.memory_space<vmem>>)
      tpu.yield
    }) : () -> ()
    %dma_start3A_18 = arith.constant 0 : i32
    %dma_start3A_19 = arith.constant 0 : i32
    %dma_start3A_20 = tpu.memref_slice %arg2[%dma_start3A_18, %dma_start3A_19] : memref<2048x1024xf32, #tpu.memory_space<hbm>> -> memref<2048x1024xf32, #tpu.memory_space<hbm>>
    tpu.enqueue_indirect_dma source(%dma_start3A_20 : memref<2048x1024xf32, #tpu.memory_space<hbm>>) target(%arg6 : memref<64x1024xf32, #tpu.memory_space<vmem>>) offsets(%arg5 : memref<64xi32, #tpu.memory_space<vmem>>) semaphore(%arg7 : memref<!tpu.dma_semaphore, #tpu.memory_space<semaphore_mem>>)
    %dma_wait3A_21 = arith.constant 0 : i32
    %dma_wait3A_22 = arith.constant 0 : i32
    %dma_wait3A_23 = tpu.memref_slice %arg2[%dma_wait3A_21, %dma_wait3A_22] : memref<2048x1024xf32, #tpu.memory_space<hbm>> -> memref<2048x1024xf32, #tpu.memory_space<hbm>>
    tpu.wait_indirect_dma semaphore(%arg7 : memref<!tpu.dma_semaphore, #tpu.memory_space<semaphore_mem>>) src(%dma_wait3A_23 : memref<2048x1024xf32, #tpu.memory_space<hbm>>) dst(%arg6 : memref<64x1024xf32, #tpu.memory_space<vmem>>)
    "tpu.region"() ({
      %run_scoped3A = tpu.sem_alloc : memref<!tpu.dma_semaphore, #tpu.memory_space<semaphore_mem>>
      %dma_start3A_50 = arith.constant 0 : i32
      %dma_start3A_51 = tpu.memref_slice %arg4[%multiple_of3A_17, %dma_start3A_50] : memref<8192x1024xf32, #tpu.memory_space<hbm>> -> memref<64x1024xf32, #tpu.memory_space<hbm>>
      %dma_start3A_52 = arith.constant 0 : i32
      %dma_start3A_53 = tpu.memref_slice %arg4[%multiple_of3A_17, %dma_start3A_52] : memref<8192x1024xf32, #tpu.memory_space<hbm>> -> memref<64x1024xf32, #tpu.memory_space<hbm>>
      tpu.enqueue_dma source(%arg6 : memref<64x1024xf32, #tpu.memory_space<vmem>>) target(%dma_start3A_53 : memref<64x1024xf32, #tpu.memory_space<hbm>>) target_semaphore(%run_scoped3A : memref<!tpu.dma_semaphore, #tpu.memory_space<semaphore_mem>>)
      %dma_wait3A_54 = arith.constant 0 : i32
      %dma_wait3A_55 = tpu.memref_slice %arg4[%multiple_of3A_17, %dma_wait3A_54] : memref<8192x1024xf32, #tpu.memory_space<hbm>> -> memref<64x1024xf32, #tpu.memory_space<hbm>>
      %dma_wait3A_56 = arith.constant 0 : i32
      %dma_wait3A_57 = tpu.memref_slice %arg4[%multiple_of3A_17, %dma_wait3A_56] : memref<8192x1024xf32, #tpu.memory_space<hbm>> -> memref<64x1024xf32, #tpu.memory_space<hbm>>
      tpu.wait_dma2 semaphore(%run_scoped3A : memref<!tpu.dma_semaphore, #tpu.memory_space<semaphore_mem>>) src(%arg6 : memref<64x1024xf32, #tpu.memory_space<vmem>>) dst(%dma_wait3A_57 : memref<64x1024xf32, #tpu.memory_space<hbm>>)
      tpu.yield
    }) : () -> ()
    %mul3A_24 = arith.constant 4 : i32
    %mul3A_25 = arith.muli %add3A, %mul3A_24 : i32
    %add3A_26 = arith.constant 2 : i32
    %add3A_27 = arith.addi %mul3A_25, %add3A_26 : i32
    %mul3A_28 = arith.constant 64 : i32
    %mul3A_29 = arith.muli %add3A_27, %mul3A_28 : i32
    %multiple_of3A_30 = tpu.assume_multiple %mul3A_29, 64 : i32
    "tpu.region"() ({
      %run_scoped3A = tpu.sem_alloc : memref<!tpu.dma_semaphore, #tpu.memory_space<semaphore_mem>>
      %dma_start3A_50 = tpu.memref_slice %arg3[%multiple_of3A_30] : memref<8192xi32, #tpu.memory_space<hbm>> -> memref<64xi32, #tpu.memory_space<hbm>>
      %dma_start3A_51 = tpu.memref_slice %arg3[%multiple_of3A_30] : memref<8192xi32, #tpu.memory_space<hbm>> -> memref<64xi32, #tpu.memory_space<hbm>>
      tpu.enqueue_dma source(%dma_start3A_51 : memref<64xi32, #tpu.memory_space<hbm>>) target(%arg5 : memref<64xi32, #tpu.memory_space<vmem>>) target_semaphore(%run_scoped3A : memref<!tpu.dma_semaphore, #tpu.memory_space<semaphore_mem>>)
      %dma_wait3A_52 = tpu.memref_slice %arg3[%multiple_of3A_30] : memref<8192xi32, #tpu.memory_space<hbm>> -> memref<64xi32, #tpu.memory_space<hbm>>
      %dma_wait3A_53 = tpu.memref_slice %arg3[%multiple_of3A_30] : memref<8192xi32, #tpu.memory_space<hbm>> -> memref<64xi32, #tpu.memory_space<hbm>>
      tpu.wait_dma2 semaphore(%run_scoped3A : memref<!tpu.dma_semaphore, #tpu.memory_space<semaphore_mem>>) src(%dma_wait3A_53 : memref<64xi32, #tpu.memory_space<hbm>>) dst(%arg5 : memref<64xi32, #tpu.memory_space<vmem>>)
      tpu.yield
    }) : () -> ()
    %dma_start3A_31 = arith.constant 0 : i32
    %dma_start3A_32 = arith.constant 0 : i32
    %dma_start3A_33 = tpu.memref_slice %arg2[%dma_start3A_31, %dma_start3A_32] : memref<2048x1024xf32, #tpu.memory_space<hbm>> -> memref<2048x1024xf32, #tpu.memory_space<hbm>>
    tpu.enqueue_indirect_dma source(%dma_start3A_33 : memref<2048x1024xf32, #tpu.memory_space<hbm>>) target(%arg6 : memref<64x1024xf32, #tpu.memory_space<vmem>>) offsets(%arg5 : memref<64xi32, #tpu.memory_space<vmem>>) semaphore(%arg7 : memref<!tpu.dma_semaphore, #tpu.memory_space<semaphore_mem>>)
    %dma_wait3A_34 = arith.constant 0 : i32
    %dma_wait3A_35 = arith.constant 0 : i32
    %dma_wait3A_36 = tpu.memref_slice %arg2[%dma_wait3A_34, %dma_wait3A_35] : memref<2048x1024xf32, #tpu.memory_space<hbm>> -> memref<2048x1024xf32, #tpu.memory_space<hbm>>
    tpu.wait_indirect_dma semaphore(%arg7 : memref<!tpu.dma_semaphore, #tpu.memory_space<semaphore_mem>>) src(%dma_wait3A_36 : memref<2048x1024xf32, #tpu.memory_space<hbm>>) dst(%arg6 : memref<64x1024xf32, #tpu.memory_space<vmem>>)
    "tpu.region"() ({
      %run_scoped3A = tpu.sem_alloc : memref<!tpu.dma_semaphore, #tpu.memory_space<semaphore_mem>>
      %dma_start3A_50 = arith.constant 0 : i32
      %dma_start3A_51 = tpu.memref_slice %arg4[%multiple_of3A_30, %dma_start3A_50] : memref<8192x1024xf32, #tpu.memory_space<hbm>> -> memref<64x1024xf32, #tpu.memory_space<hbm>>
      %dma_start3A_52 = arith.constant 0 : i32
      %dma_start3A_53 = tpu.memref_slice %arg4[%multiple_of3A_30, %dma_start3A_52] : memref<8192x1024xf32, #tpu.memory_space<hbm>> -> memref<64x1024xf32, #tpu.memory_space<hbm>>
      tpu.enqueue_dma source(%arg6 : memref<64x1024xf32, #tpu.memory_space<vmem>>) target(%dma_start3A_53 : memref<64x1024xf32, #tpu.memory_space<hbm>>) target_semaphore(%run_scoped3A : memref<!tpu.dma_semaphore, #tpu.memory_space<semaphore_mem>>)
      %dma_wait3A_54 = arith.constant 0 : i32
      %dma_wait3A_55 = tpu.memref_slice %arg4[%multiple_of3A_30, %dma_wait3A_54] : memref<8192x1024xf32, #tpu.memory_space<hbm>> -> memref<64x1024xf32, #tpu.memory_space<hbm>>
      %dma_wait3A_56 = arith.constant 0 : i32
      %dma_wait3A_57 = tpu.memref_slice %arg4[%multiple_of3A_30, %dma_wait3A_56] : memref<8192x1024xf32, #tpu.memory_space<hbm>> -> memref<64x1024xf32, #tpu.memory_space<hbm>>
      tpu.wait_dma2 semaphore(%run_scoped3A : memref<!tpu.dma_semaphore, #tpu.memory_space<semaphore_mem>>) src(%arg6 : memref<64x1024xf32, #tpu.memory_space<vmem>>) dst(%dma_wait3A_57 : memref<64x1024xf32, #tpu.memory_space<hbm>>)
      tpu.yield
    }) : () -> ()
    %mul3A_37 = arith.constant 4 : i32
    %mul3A_38 = arith.muli %add3A, %mul3A_37 : i32
    %add3A_39 = arith.constant 3 : i32
    %add3A_40 = arith.addi %mul3A_38, %add3A_39 : i32
    %mul3A_41 = arith.constant 64 : i32
    %mul3A_42 = arith.muli %add3A_40, %mul3A_41 : i32
    %multiple_of3A_43 = tpu.assume_multiple %mul3A_42, 64 : i32
    "tpu.region"() ({
      %run_scoped3A = tpu.sem_alloc : memref<!tpu.dma_semaphore, #tpu.memory_space<semaphore_mem>>
      %dma_start3A_50 = tpu.memref_slice %arg3[%multiple_of3A_43] : memref<8192xi32, #tpu.memory_space<hbm>> -> memref<64xi32, #tpu.memory_space<hbm>>
      %dma_start3A_51 = tpu.memref_slice %arg3[%multiple_of3A_43] : memref<8192xi32, #tpu.memory_space<hbm>> -> memref<64xi32, #tpu.memory_space<hbm>>
      tpu.enqueue_dma source(%dma_start3A_51 : memref<64xi32, #tpu.memory_space<hbm>>) target(%arg5 : memref<64xi32, #tpu.memory_space<vmem>>) target_semaphore(%run_scoped3A : memref<!tpu.dma_semaphore, #tpu.memory_space<semaphore_mem>>)
      %dma_wait3A_52 = tpu.memref_slice %arg3[%multiple_of3A_43] : memref<8192xi32, #tpu.memory_space<hbm>> -> memref<64xi32, #tpu.memory_space<hbm>>
      %dma_wait3A_53 = tpu.memref_slice %arg3[%multiple_of3A_43] : memref<8192xi32, #tpu.memory_space<hbm>> -> memref<64xi32, #tpu.memory_space<hbm>>
      tpu.wait_dma2 semaphore(%run_scoped3A : memref<!tpu.dma_semaphore, #tpu.memory_space<semaphore_mem>>) src(%dma_wait3A_53 : memref<64xi32, #tpu.memory_space<hbm>>) dst(%arg5 : memref<64xi32, #tpu.memory_space<vmem>>)
      tpu.yield
    }) : () -> ()
    %dma_start3A_44 = arith.constant 0 : i32
    %dma_start3A_45 = arith.constant 0 : i32
    %dma_start3A_46 = tpu.memref_slice %arg2[%dma_start3A_44, %dma_start3A_45] : memref<2048x1024xf32, #tpu.memory_space<hbm>> -> memref<2048x1024xf32, #tpu.memory_space<hbm>>
    tpu.enqueue_indirect_dma source(%dma_start3A_46 : memref<2048x1024xf32, #tpu.memory_space<hbm>>) target(%arg6 : memref<64x1024xf32, #tpu.memory_space<vmem>>) offsets(%arg5 : memref<64xi32, #tpu.memory_space<vmem>>) semaphore(%arg7 : memref<!tpu.dma_semaphore, #tpu.memory_space<semaphore_mem>>)
    %dma_wait3A_47 = arith.constant 0 : i32
    %dma_wait3A_48 = arith.constant 0 : i32
    %dma_wait3A_49 = tpu.memref_slice %arg2[%dma_wait3A_47, %dma_wait3A_48] : memref<2048x1024xf32, #tpu.memory_space<hbm>> -> memref<2048x1024xf32, #tpu.memory_space<hbm>>
    tpu.wait_indirect_dma semaphore(%arg7 : memref<!tpu.dma_semaphore, #tpu.memory_space<semaphore_mem>>) src(%dma_wait3A_49 : memref<2048x1024xf32, #tpu.memory_space<hbm>>) dst(%arg6 : memref<64x1024xf32, #tpu.memory_space<vmem>>)
    "tpu.region"() ({
      %run_scoped3A = tpu.sem_alloc : memref<!tpu.dma_semaphore, #tpu.memory_space<semaphore_mem>>
      %dma_start3A_50 = arith.constant 0 : i32
      %dma_start3A_51 = tpu.memref_slice %arg4[%multiple_of3A_43, %dma_start3A_50] : memref<8192x1024xf32, #tpu.memory_space<hbm>> -> memref<64x1024xf32, #tpu.memory_space<hbm>>
      %dma_start3A_52 = arith.constant 0 : i32
      %dma_start3A_53 = tpu.memref_slice %arg4[%multiple_of3A_43, %dma_start3A_52] : memref<8192x1024xf32, #tpu.memory_space<hbm>> -> memref<64x1024xf32, #tpu.memory_space<hbm>>
      tpu.enqueue_dma source(%arg6 : memref<64x1024xf32, #tpu.memory_space<vmem>>) target(%dma_start3A_53 : memref<64x1024xf32, #tpu.memory_space<hbm>>) target_semaphore(%run_scoped3A : memref<!tpu.dma_semaphore, #tpu.memory_space<semaphore_mem>>)
      %dma_wait3A_54 = arith.constant 0 : i32
      %dma_wait3A_55 = tpu.memref_slice %arg4[%multiple_of3A_43, %dma_wait3A_54] : memref<8192x1024xf32, #tpu.memory_space<hbm>> -> memref<64x1024xf32, #tpu.memory_space<hbm>>
      %dma_wait3A_56 = arith.constant 0 : i32
      %dma_wait3A_57 = tpu.memref_slice %arg4[%multiple_of3A_43, %dma_wait3A_56] : memref<8192x1024xf32, #tpu.memory_space<hbm>> -> memref<64x1024xf32, #tpu.memory_space<hbm>>
      tpu.wait_dma2 semaphore(%run_scoped3A : memref<!tpu.dma_semaphore, #tpu.memory_space<semaphore_mem>>) src(%arg6 : memref<64x1024xf32, #tpu.memory_space<vmem>>) dst(%dma_wait3A_57 : memref<64x1024xf32, #tpu.memory_space<hbm>>)
      tpu.yield
    }) : () -> ()
    return
  }
}

module attributes {stable_mosaic.version = 14 : i64} {
  func.func @_router_body(%arg0: memref<2048x1024xf32, #tpu.memory_space<vmem>>, %arg1: memref<8x1024xf32, #tpu.memory_space<vmem>>, %arg2: memref<2048x8xf32, #tpu.memory_space<vmem>>, %arg3: memref<8x2048xf32, #tpu.memory_space<vmem>>, %arg4: memref<32x128xf32, #tpu.memory_space<vmem>>) attributes {dimension_semantics = [], scalar_prefetch = 0 : i64, scratch_operands = 0 : i64, tpu.core_type = #tpu.core_type<tc>} {
    %get3A = arith.constant 0 : index
    %get3A_0 = arith.constant 0 : index
    %get3A_1 = vector.load %arg0[%get3A, %get3A_0] : memref<2048x1024xf32, #tpu.memory_space<vmem>>, vector<2048x1024xf32>
    %get3A_2 = arith.constant 0 : index
    %get3A_3 = arith.constant 0 : index
    %get3A_4 = vector.load %arg1[%get3A_2, %get3A_3] : memref<8x1024xf32, #tpu.memory_space<vmem>>, vector<8x1024xf32>
    %dot_general3A = arith.constant dense<0.000000e+00> : vector<2048x8xf32>
    %dot_general3A_5 = tpu.matmul %get3A_1, %get3A_4, %dot_general3A {dimension_numbers = #tpu.dot_dimension_numbers<[1], [1], [0], [0], [0, 0, 1, 0], [], []>, transpose_lhs_hint = false} : vector<2048x1024xf32>, vector<8x1024xf32>, vector<2048x8xf32> -> vector<2048x8xf32>
    %swap3A = arith.constant 0 : index
    %swap3A_6 = arith.constant 0 : index
    %swap3A_7 = vector.load %arg2[%swap3A, %swap3A_6] : memref<2048x8xf32, #tpu.memory_space<vmem>>, vector<2048x8xf32>
    tpu.vector_store %arg2[%swap3A, %swap3A_6], %dot_general3A_5 {strides = array<i32>} : memref<2048x8xf32, #tpu.memory_space<vmem>>, vector<2048x8xf32>,
    %dot_general3A_8 = arith.constant dense<0.000000e+00> : vector<8x2048xf32>
    %dot_general3A_9 = tpu.matmul %get3A_4, %get3A_1, %dot_general3A_8 {dimension_numbers = #tpu.dot_dimension_numbers<[1], [1], [0], [0], [0, 0, 1, 0], [], []>, transpose_lhs_hint = false} : vector<8x1024xf32>, vector<2048x1024xf32>, vector<8x2048xf32> -> vector<8x2048xf32>
    %reduce_max3A = arith.constant dense<0xFF800000> : vector<2048xf32>
    %reduce_max3A_10 = vector.multi_reduction <maximumf>, %dot_general3A_9, %reduce_max3A [0] : vector<8x2048xf32> to vector<2048xf32>
    %broadcast_in_dim3A = vector.shape_cast %reduce_max3A_10 : vector<2048xf32> to vector<1x2048xf32>
    %sub3A = vector.broadcast %broadcast_in_dim3A : vector<1x2048xf32> to vector<8x2048xf32>
    %sub3A_11 = arith.subf %dot_general3A_9, %sub3A : vector<8x2048xf32>
    %exp3A = math.exp %sub3A_11 : vector<8x2048xf32>
    %reduce_sum3A = arith.constant dense<0.000000e+00> : vector<2048xf32>
    %reduce_sum3A_12 = vector.multi_reduction <add>, %exp3A, %reduce_sum3A [0] : vector<8x2048xf32> to vector<2048xf32>
    %broadcast_in_dim3A_13 = vector.shape_cast %reduce_sum3A_12 : vector<2048xf32> to vector<1x2048xf32>
    %div3A = vector.broadcast %broadcast_in_dim3A_13 : vector<1x2048xf32> to vector<8x2048xf32>
    %div3A_14 = arith.divf %exp3A, %div3A : vector<8x2048xf32>
    %iota3A = tpu.iota {dimensions = array<i32: 0>} : vector<8x2048xi32>
    %iota3A_15 = tpu.iota {dimensions = array<i32: 0>} : vector<8x8xi32>
    %iota3A_16 = tpu.iota {dimensions = array<i32: 1>} : vector<8x8xi32>
    %ge3A = arith.cmpi sge, %iota3A_15, %iota3A_16 : vector<8x8xi32>
    %convert_element_type3A = arith.extui %ge3A : vector<8x8xi1> to vector<8x8xi32>
    %convert_element_type3A_17 = arith.sitofp %convert_element_type3A : vector<8x8xi32> to vector<8x8xf32>
    %reduce_max3A_18 = arith.constant dense<0xFF800000> : vector<2048xf32>
    %reduce_max3A_19 = vector.multi_reduction <maximumf>, %div3A_14, %reduce_max3A_18 [0] : vector<8x2048xf32> to vector<2048xf32>
    %broadcast_in_dim3A_20 = vector.shape_cast %reduce_max3A_19 : vector<2048xf32> to vector<1x2048xf32>
    %eq3A = vector.broadcast %broadcast_in_dim3A_20 : vector<1x2048xf32> to vector<8x2048xf32>
    %eq3A_21 = arith.cmpf oeq, %div3A_14, %eq3A : vector<8x2048xf32>
    %convert_element_type3A_22 = arith.extui %eq3A_21 : vector<8x2048xi1> to vector<8x2048xi32>
    %convert_element_type3A_23 = arith.sitofp %convert_element_type3A_22 : vector<8x2048xi32> to vector<8x2048xf32>
    %dot_general3A_24 = arith.constant dense<0.000000e+00> : vector<8x2048xf32>
    %dot_general3A_25 = tpu.matmul %convert_element_type3A_17, %convert_element_type3A_23, %dot_general3A_24 {dimension_numbers = #tpu.dot_dimension_numbers<[1], [0], [0], [1], [0, 0, 1, 1], [], []>, transpose_lhs_hint = false} : vector<8x8xf32>, vector<8x2048xf32>, vector<8x2048xf32> -> vector<8x2048xf32>
    %gt3A = arith.constant 0.000000e+00 : f32
    %gt3A_26 = vector.broadcast %gt3A : f32 to vector<8x2048xf32>
    %gt3A_27 = arith.cmpf ogt, %convert_element_type3A_23, %gt3A_26 : vector<8x2048xf32>
    %eq3A_28 = arith.constant 1.000000e+00 : f32
    %eq3A_29 = vector.broadcast %eq3A_28 : f32 to vector<8x2048xf32>
    %eq3A_30 = arith.cmpf oeq, %dot_general3A_25, %eq3A_29 : vector<8x2048xf32>
    %and3A = arith.andi %gt3A_27, %eq3A_30 : vector<8x2048xi1>
    %jit3A = arith.constant -1.000000e+00 : f32
    %broadcast_in_dim3A_31 = vector.broadcast %jit3A : f32 to vector<8x2048xf32>
    %select_n3A = arith.select %and3A, %broadcast_in_dim3A_31, %div3A_14 : vector<8x2048xi1>, vector<8x2048xf32>
    %reduce_max3A_32 = arith.constant dense<0xFF800000> : vector<2048xf32>
    %reduce_max3A_33 = vector.multi_reduction <maximumf>, %select_n3A, %reduce_max3A_32 [0] : vector<8x2048xf32> to vector<2048xf32>
    %broadcast_in_dim3A_34 = vector.shape_cast %reduce_max3A_33 : vector<2048xf32> to vector<1x2048xf32>
    %eq3A_35 = vector.broadcast %broadcast_in_dim3A_34 : vector<1x2048xf32> to vector<8x2048xf32>
    %eq3A_36 = arith.cmpf oeq, %select_n3A, %eq3A_35 : vector<8x2048xf32>
    %convert_element_type3A_37 = arith.extui %eq3A_36 : vector<8x2048xi1> to vector<8x2048xi32>
    %convert_element_type3A_38 = arith.sitofp %convert_element_type3A_37 : vector<8x2048xi32> to vector<8x2048xf32>
    %dot_general3A_39 = arith.constant dense<0.000000e+00> : vector<8x2048xf32>
    %dot_general3A_40 = tpu.matmul %convert_element_type3A_17, %convert_element_type3A_38, %dot_general3A_39 {dimension_numbers = #tpu.dot_dimension_numbers<[1], [0], [0], [1], [0, 0, 1, 1], [], []>, transpose_lhs_hint = false} : vector<8x8xf32>, vector<8x2048xf32>, vector<8x2048xf32> -> vector<8x2048xf32>
    %gt3A_41 = arith.constant 0.000000e+00 : f32
    %gt3A_42 = vector.broadcast %gt3A_41 : f32 to vector<8x2048xf32>
    %gt3A_43 = arith.cmpf ogt, %convert_element_type3A_38, %gt3A_42 : vector<8x2048xf32>
    %eq3A_44 = arith.constant 1.000000e+00 : f32
    %eq3A_45 = vector.broadcast %eq3A_44 : f32 to vector<8x2048xf32>
    %eq3A_46 = arith.cmpf oeq, %dot_general3A_40, %eq3A_45 : vector<8x2048xf32>
    %and3A_47 = arith.andi %gt3A_43, %eq3A_46 : vector<8x2048xi1>
    %jit3A_48 = arith.constant 0 : i32
    %broadcast_in_dim3A_49 = vector.broadcast %jit3A_48 : i32 to vector<8x2048xi32>
    %select_n3A_50 = arith.select %and3A, %iota3A, %broadcast_in_dim3A_49 : vector<8x2048xi1>, vector<8x2048xi32>
    %reduce_sum3A_51 = arith.constant dense<0> : vector<2048xi32>
    %reduce_sum3A_52 = vector.multi_reduction <add>, %select_n3A_50, %reduce_sum3A_51 [0] : vector<8x2048xi32> to vector<2048xi32>
    %broadcast_in_dim3A_53 = vector.shape_cast %reduce_sum3A_52 : vector<2048xi32> to vector<1x2048xi32>
    %convert_element_type3A_54 = arith.sitofp %broadcast_in_dim3A_53 : vector<1x2048xi32> to vector<1x2048xf32>
    %jit3A_55 = arith.constant 0 : i32
    %broadcast_in_dim3A_56 = vector.broadcast %jit3A_55 : i32 to vector<8x2048xi32>
    %select_n3A_57 = arith.select %and3A_47, %iota3A, %broadcast_in_dim3A_56 : vector<8x2048xi1>, vector<8x2048xi32>
    %reduce_sum3A_58 = arith.constant dense<0> : vector<2048xi32>
    %reduce_sum3A_59 = vector.multi_reduction <add>, %select_n3A_57, %reduce_sum3A_58 [0] : vector<8x2048xi32> to vector<2048xi32>
    %broadcast_in_dim3A_60 = vector.shape_cast %reduce_sum3A_59 : vector<2048xi32> to vector<1x2048xi32>
    %convert_element_type3A_61 = arith.sitofp %broadcast_in_dim3A_60 : vector<1x2048xi32> to vector<1x2048xf32>
    %add3A = arith.addf %broadcast_in_dim3A_20, %broadcast_in_dim3A_34 : vector<1x2048xf32>
    %div3A_62 = arith.divf %broadcast_in_dim3A_20, %add3A : vector<1x2048xf32>
    %div3A_63 = arith.divf %broadcast_in_dim3A_34, %add3A : vector<1x2048xf32>
    %iota3A_64 = tpu.iota {dimensions = array<i32: 0>} : vector<8x2048xi32>
    %eq3A_65 = arith.constant 0 : i32
    %eq3A_66 = vector.broadcast %eq3A_65 : i32 to vector<8x2048xi32>
    %eq3A_67 = arith.cmpi eq, %iota3A_64, %eq3A_66 : vector<8x2048xi32>
    %eq3A_68 = arith.constant 1 : i32
    %eq3A_69 = vector.broadcast %eq3A_68 : i32 to vector<8x2048xi32>
    %eq3A_70 = arith.cmpi eq, %iota3A_64, %eq3A_69 : vector<8x2048xi32>
    %eq3A_71 = arith.constant 2 : i32
    %eq3A_72 = vector.broadcast %eq3A_71 : i32 to vector<8x2048xi32>
    %eq3A_73 = arith.cmpi eq, %iota3A_64, %eq3A_72 : vector<8x2048xi32>
    %eq3A_74 = arith.constant 3 : i32
    %eq3A_75 = vector.broadcast %eq3A_74 : i32 to vector<8x2048xi32>
    %eq3A_76 = arith.cmpi eq, %iota3A_64, %eq3A_75 : vector<8x2048xi32>
    %jit3A_77 = arith.constant 0.000000e+00 : f32
    %broadcast_in_dim3A_78 = vector.shape_cast %div3A_63 : vector<1x2048xf32> to vector<1x2048xf32>
    %broadcast_in_dim3A_79 = vector.broadcast %broadcast_in_dim3A_78 : vector<1x2048xf32> to vector<8x2048xf32>
    %broadcast_in_dim3A_80 = vector.broadcast %jit3A_77 : f32 to vector<8x2048xf32>
    %select_n3A_81 = arith.select %eq3A_76, %broadcast_in_dim3A_79, %broadcast_in_dim3A_80 : vector<8x2048xi1>, vector<8x2048xf32>
    %broadcast_in_dim3A_82 = vector.shape_cast %div3A_62 : vector<1x2048xf32> to vector<1x2048xf32>
    %broadcast_in_dim3A_83 = vector.broadcast %broadcast_in_dim3A_82 : vector<1x2048xf32> to vector<8x2048xf32>
    %select_n3A_84 = arith.select %eq3A_73, %broadcast_in_dim3A_83, %select_n3A_81 : vector<8x2048xi1>, vector<8x2048xf32>
    %broadcast_in_dim3A_85 = vector.shape_cast %convert_element_type3A_61 : vector<1x2048xf32> to vector<1x2048xf32>
    %broadcast_in_dim3A_86 = vector.broadcast %broadcast_in_dim3A_85 : vector<1x2048xf32> to vector<8x2048xf32>
    %select_n3A_87 = arith.select %eq3A_70, %broadcast_in_dim3A_86, %select_n3A_84 : vector<8x2048xi1>, vector<8x2048xf32>
    %broadcast_in_dim3A_88 = vector.shape_cast %convert_element_type3A_54 : vector<1x2048xf32> to vector<1x2048xf32>
    %broadcast_in_dim3A_89 = vector.broadcast %broadcast_in_dim3A_88 : vector<1x2048xf32> to vector<8x2048xf32>
    %select_n3A_90 = arith.select %eq3A_67, %broadcast_in_dim3A_89, %select_n3A_87 : vector<8x2048xi1>, vector<8x2048xf32>
    %swap3A_91 = arith.constant 0 : index
    %swap3A_92 = arith.constant 0 : index
    %swap3A_93 = vector.load %arg3[%swap3A_91, %swap3A_92] : memref<8x2048xf32, #tpu.memory_space<vmem>>, vector<8x2048xf32>
    tpu.vector_store %arg3[%swap3A_91, %swap3A_92], %select_n3A_90 {strides = array<i32>} : memref<8x2048xf32, #tpu.memory_space<vmem>>, vector<8x2048xf32>,
    %iota3A_94 = tpu.iota {dimensions = array<i32: 0>} : vector<2048x4xi32>
    %jit3A_95 = arith.constant 512 : i32
    %div3A_96 = vector.broadcast %jit3A_95 : i32 to vector<2048x4xi32>
    %div3A_97 = arith.divsi %iota3A_94, %div3A_96 : vector<2048x4xi32>
    %sign3A = arith.constant 0 : i32
    %sign3A_98 = vector.broadcast %sign3A : i32 to vector<2048x4xi32>
    %sign3A_99 = arith.cmpi sgt, %iota3A_94, %sign3A_98 : vector<2048x4xi32>
    %sign3A_100 = arith.extui %sign3A_99 : vector<2048x4xi1> to vector<2048x4xi32>
    %sign3A_101 = arith.constant 0 : i32
    %sign3A_102 = vector.broadcast %sign3A_101 : i32 to vector<2048x4xi32>
    %sign3A_103 = arith.cmpi slt, %iota3A_94, %sign3A_102 : vector<2048x4xi32>
    %sign3A_104 = arith.extui %sign3A_103 : vector<2048x4xi1> to vector<2048x4xi32>
    %sign3A_105 = arith.subi %sign3A_100, %sign3A_104 : vector<2048x4xi32>
    %sign3A_106 = arith.constant 0 : i32
    %sign3A_107 = arith.cmpi sgt, %jit3A_95, %sign3A_106 : i32
    %sign3A_108 = arith.extui %sign3A_107 : i1 to i32
    %sign3A_109 = arith.constant 0 : i32
    %sign3A_110 = arith.cmpi slt, %jit3A_95, %sign3A_109 : i32
    %sign3A_111 = arith.extui %sign3A_110 : i1 to i32
    %sign3A_112 = arith.subi %sign3A_108, %sign3A_111 : i32
    %ne3A = vector.broadcast %sign3A_112 : i32 to vector<2048x4xi32>
    %ne3A_113 = arith.cmpi ne, %sign3A_105, %ne3A : vector<2048x4xi32>
    %rem3A = vector.broadcast %jit3A_95 : i32 to vector<2048x4xi32>
    %rem3A_114 = arith.remsi %iota3A_94, %rem3A : vector<2048x4xi32>
    %ne3A_115 = arith.constant 0 : i32
    %ne3A_116 = vector.broadcast %ne3A_115 : i32 to vector<2048x4xi32>
    %ne3A_117 = arith.cmpi ne, %rem3A_114, %ne3A_116 : vector<2048x4xi32>
    %and3A_118 = arith.andi %ne3A_113, %ne3A_117 : vector<2048x4xi1>
    %sub3A_119 = arith.constant 1 : i32
    %sub3A_120 = vector.broadcast %sub3A_119 : i32 to vector<2048x4xi32>
    %sub3A_121 = arith.subi %div3A_97, %sub3A_120 : vector<2048x4xi32>
    %select_n3A_122 = arith.select %and3A_118, %sub3A_121, %div3A_97 : vector<2048x4xi1>, vector<2048x4xi32>
    %iota3A_123 = tpu.iota {dimensions = array<i32: 1>} : vector<2048x4xi32>
    %eq3A_124 = arith.cmpi eq, %select_n3A_122, %iota3A_123 : vector<2048x4xi32>
    %convert_element_type3A_125 = arith.extui %eq3A_124 : vector<2048x4xi1> to vector<2048x4xi32>
    %convert_element_type3A_126 = arith.sitofp %convert_element_type3A_125 : vector<2048x4xi32> to vector<2048x4xf32>
    %convert_element_type3A_127 = arith.extui %and3A : vector<8x2048xi1> to vector<8x2048xi32>
    %convert_element_type3A_128 = arith.sitofp %convert_element_type3A_127 : vector<8x2048xi32> to vector<8x2048xf32>
    %convert_element_type3A_129 = arith.extui %and3A_47 : vector<8x2048xi1> to vector<8x2048xi32>
    %convert_element_type3A_130 = arith.sitofp %convert_element_type3A_129 : vector<8x2048xi32> to vector<8x2048xf32>
    %add3A_131 = arith.addf %convert_element_type3A_128, %convert_element_type3A_130 : vector<8x2048xf32>
    %dot_general3A_132 = arith.constant dense<0.000000e+00> : vector<8x4xf32>
    %dot_general3A_133 = tpu.matmul %add3A_131, %convert_element_type3A_126, %dot_general3A_132 {dimension_numbers = #tpu.dot_dimension_numbers<[1], [0], [0], [1], [0, 0, 1, 1], [], []>, transpose_lhs_hint = false} : vector<8x2048xf32>, vector<2048x4xf32>, vector<8x4xf32> -> vector<8x4xf32>
    %iota3A_134 = tpu.iota {dimensions = array<i32: 0>} : vector<32x8xi32>
    %jit3A_135 = arith.constant 4 : i32
    %div3A_136 = vector.broadcast %jit3A_135 : i32 to vector<32x8xi32>
    %div3A_137 = arith.divsi %iota3A_134, %div3A_136 : vector<32x8xi32>
    %sign3A_138 = arith.constant 0 : i32
    %sign3A_139 = vector.broadcast %sign3A_138 : i32 to vector<32x8xi32>
    %sign3A_140 = arith.cmpi sgt, %iota3A_134, %sign3A_139 : vector<32x8xi32>
    %sign3A_141 = arith.extui %sign3A_140 : vector<32x8xi1> to vector<32x8xi32>
    %sign3A_142 = arith.constant 0 : i32
    %sign3A_143 = vector.broadcast %sign3A_142 : i32 to vector<32x8xi32>
    %sign3A_144 = arith.cmpi slt, %iota3A_134, %sign3A_143 : vector<32x8xi32>
    %sign3A_145 = arith.extui %sign3A_144 : vector<32x8xi1> to vector<32x8xi32>
    %sign3A_146 = arith.subi %sign3A_141, %sign3A_145 : vector<32x8xi32>
    %sign3A_147 = arith.constant 0 : i32
    %sign3A_148 = arith.cmpi sgt, %jit3A_135, %sign3A_147 : i32
    %sign3A_149 = arith.extui %sign3A_148 : i1 to i32
    %sign3A_150 = arith.constant 0 : i32
    %sign3A_151 = arith.cmpi slt, %jit3A_135, %sign3A_150 : i32
    %sign3A_152 = arith.extui %sign3A_151 : i1 to i32
    %sign3A_153 = arith.subi %sign3A_149, %sign3A_152 : i32
    %ne3A_154 = vector.broadcast %sign3A_153 : i32 to vector<32x8xi32>
    %ne3A_155 = arith.cmpi ne, %sign3A_146, %ne3A_154 : vector<32x8xi32>
    %rem3A_156 = vector.broadcast %jit3A_135 : i32 to vector<32x8xi32>
    %rem3A_157 = arith.remsi %iota3A_134, %rem3A_156 : vector<32x8xi32>
    %ne3A_158 = arith.constant 0 : i32
    %ne3A_159 = vector.broadcast %ne3A_158 : i32 to vector<32x8xi32>
    %ne3A_160 = arith.cmpi ne, %rem3A_157, %ne3A_159 : vector<32x8xi32>
    %and3A_161 = arith.andi %ne3A_155, %ne3A_160 : vector<32x8xi1>
    %sub3A_162 = arith.constant 1 : i32
    %sub3A_163 = vector.broadcast %sub3A_162 : i32 to vector<32x8xi32>
    %sub3A_164 = arith.subi %div3A_137, %sub3A_163 : vector<32x8xi32>
    %select_n3A_165 = arith.select %and3A_161, %sub3A_164, %div3A_137 : vector<32x8xi1>, vector<32x8xi32>
    %iota3A_166 = tpu.iota {dimensions = array<i32: 1>} : vector<32x8xi32>
    %eq3A_167 = arith.cmpi eq, %select_n3A_165, %iota3A_166 : vector<32x8xi32>
    %convert_element_type3A_168 = arith.extui %eq3A_167 : vector<32x8xi1> to vector<32x8xi32>
    %convert_element_type3A_169 = arith.sitofp %convert_element_type3A_168 : vector<32x8xi32> to vector<32x8xf32>
    %dot_general3A_170 = arith.constant dense<0.000000e+00> : vector<32x4xf32>
    %dot_general3A_171 = tpu.matmul %convert_element_type3A_169, %dot_general3A_133, %dot_general3A_170 {dimension_numbers = #tpu.dot_dimension_numbers<[1], [0], [0], [1], [0, 0, 1, 1], [], []>, transpose_lhs_hint = false} : vector<32x8xf32>, vector<8x4xf32>, vector<32x4xf32> -> vector<32x4xf32>
    %iota3A_172 = tpu.iota {dimensions = array<i32: 1>} : vector<32x4xi32>
    %iota3A_173 = tpu.iota {dimensions = array<i32: 0>} : vector<32x4xi32>
    %rem3A_174 = arith.constant 4 : i32
    %rem3A_175 = vector.broadcast %rem3A_174 : i32 to vector<32x4xi32>
    %rem3A_176 = arith.remsi %iota3A_173, %rem3A_175 : vector<32x4xi32>
    %eq3A_177 = arith.cmpi eq, %iota3A_172, %rem3A_176 : vector<32x4xi32>
    %jit3A_178 = arith.constant 0.000000e+00 : f32
    %broadcast_in_dim3A_179 = vector.broadcast %jit3A_178 : f32 to vector<32x4xf32>
    %select_n3A_180 = arith.select %eq3A_177, %dot_general3A_171, %broadcast_in_dim3A_179 : vector<32x4xi1>, vector<32x4xf32>
    %reduce_sum3A_181 = arith.constant dense<0.000000e+00> : vector<32xf32>
    %reduce_sum3A_182 = vector.multi_reduction <add>, %select_n3A_180, %reduce_sum3A_181 [1] : vector<32x4xf32> to vector<32xf32>
    %broadcast_in_dim3A_183 = vector.shape_cast %reduce_sum3A_182 : vector<32xf32> to vector<32x1xf32>
    %broadcast_in_dim3A_184 = vector.shape_cast %broadcast_in_dim3A_183 : vector<32x1xf32> to vector<32x1xf32>
    %broadcast_in_dim3A_185 = vector.broadcast %broadcast_in_dim3A_184 : vector<32x1xf32> to vector<32x128xf32>
    %swap3A_186 = arith.constant 0 : index
    %swap3A_187 = arith.constant 0 : index
    %swap3A_188 = vector.load %arg4[%swap3A_186, %swap3A_187] : memref<32x128xf32, #tpu.memory_space<vmem>>, vector<32x128xf32>
    tpu.vector_store %arg4[%swap3A_186, %swap3A_187], %broadcast_in_dim3A_185 {strides = array<i32>} : memref<32x128xf32, #tpu.memory_space<vmem>>, vector<32x128xf32>,
    return
  }
}

module attributes {stable_mosaic.version = 14 : i64} {
  func.func @_sched_body(%arg0: memref<32x128xf32, #tpu.memory_space<vmem>>, %arg1: memref<256x64xf32, #tpu.memory_space<vmem>>, %arg2: memref<256x64xf32, #tpu.memory_space<vmem>>, %arg3: memref<1x64xi32, #tpu.memory_space<vmem>>, %arg4: memref<1x64xi32, #tpu.memory_space<vmem>>, %arg5: memref<128x64xi32, #tpu.memory_space<vmem>>, %arg6: memref<128x64xf32, #tpu.memory_space<vmem>>) attributes {dimension_semantics = [], scalar_prefetch = 0 : i64, scratch_operands = 0 : i64, tpu.core_type = #tpu.core_type<tc>} {
    %get3A = arith.constant 0 : index
    %get3A_0 = arith.constant 0 : index
    %get3A_1 = vector.load %arg0[%get3A, %get3A_0] : memref<32x128xf32, #tpu.memory_space<vmem>>, vector<32x128xf32>
    %slice3A = vector.extract_strided_slice %get3A_1 {offsets = [0, 0], sizes = [32, 1], strides = [1, 1]} : vector<32x128xf32> to vector<32x1xf32>
    %convert_element_type3A = arith.fptosi %slice3A : vector<32x1xf32> to vector<32x1xi32>
    %add3A = arith.constant 128 : i32
    %add3A_2 = vector.broadcast %add3A : i32 to vector<32x1xi32>
    %add3A_3 = arith.addi %convert_element_type3A, %add3A_2 : vector<32x1xi32>
    %sub3A = arith.constant 1 : i32
    %sub3A_4 = vector.broadcast %sub3A : i32 to vector<32x1xi32>
    %sub3A_5 = arith.subi %add3A_3, %sub3A_4 : vector<32x1xi32>
    %jit3A = arith.constant 128 : i32
    %div3A = vector.broadcast %jit3A : i32 to vector<32x1xi32>
    %div3A_6 = arith.divsi %sub3A_5, %div3A : vector<32x1xi32>
    %sign3A = arith.constant 0 : i32
    %sign3A_7 = vector.broadcast %sign3A : i32 to vector<32x1xi32>
    %sign3A_8 = arith.cmpi sgt, %sub3A_5, %sign3A_7 : vector<32x1xi32>
    %sign3A_9 = arith.extui %sign3A_8 : vector<32x1xi1> to vector<32x1xi32>
    %sign3A_10 = arith.constant 0 : i32
    %sign3A_11 = vector.broadcast %sign3A_10 : i32 to vector<32x1xi32>
    %sign3A_12 = arith.cmpi slt, %sub3A_5, %sign3A_11 : vector<32x1xi32>
    %sign3A_13 = arith.extui %sign3A_12 : vector<32x1xi1> to vector<32x1xi32>
    %sign3A_14 = arith.subi %sign3A_9, %sign3A_13 : vector<32x1xi32>
    %sign3A_15 = arith.constant 0 : i32
    %sign3A_16 = arith.cmpi sgt, %jit3A, %sign3A_15 : i32
    %sign3A_17 = arith.extui %sign3A_16 : i1 to i32
    %sign3A_18 = arith.constant 0 : i32
    %sign3A_19 = arith.cmpi slt, %jit3A, %sign3A_18 : i32
    %sign3A_20 = arith.extui %sign3A_19 : i1 to i32
    %sign3A_21 = arith.subi %sign3A_17, %sign3A_20 : i32
    %ne3A = vector.broadcast %sign3A_21 : i32 to vector<32x1xi32>
    %ne3A_22 = arith.cmpi ne, %sign3A_14, %ne3A : vector<32x1xi32>
    %rem3A = vector.broadcast %jit3A : i32 to vector<32x1xi32>
    %rem3A_23 = arith.remsi %sub3A_5, %rem3A : vector<32x1xi32>
    %ne3A_24 = arith.constant 0 : i32
    %ne3A_25 = vector.broadcast %ne3A_24 : i32 to vector<32x1xi32>
    %ne3A_26 = arith.cmpi ne, %rem3A_23, %ne3A_25 : vector<32x1xi32>
    %and3A = arith.andi %ne3A_22, %ne3A_26 : vector<32x1xi1>
    %sub3A_27 = arith.constant 1 : i32
    %sub3A_28 = vector.broadcast %sub3A_27 : i32 to vector<32x1xi32>
    %sub3A_29 = arith.subi %div3A_6, %sub3A_28 : vector<32x1xi32>
    %select_n3A = arith.select %and3A, %sub3A_29, %div3A_6 : vector<32x1xi1>, vector<32x1xi32>
    %convert_element_type3A_30 = arith.sitofp %select_n3A : vector<32x1xi32> to vector<32x1xf32>
    %iota3A = tpu.iota {dimensions = array<i32: 0>} : vector<32x32xi32>
    %iota3A_31 = tpu.iota {dimensions = array<i32: 1>} : vector<32x32xi32>
    %gt3A = arith.cmpi sgt, %iota3A, %iota3A_31 : vector<32x32xi32>
    %convert_element_type3A_32 = arith.extui %gt3A : vector<32x32xi1> to vector<32x32xi32>
    %convert_element_type3A_33 = arith.sitofp %convert_element_type3A_32 : vector<32x32xi32> to vector<32x32xf32>
    %dot_general3A = arith.constant dense<0.000000e+00> : vector<32x1xf32>
    %dot_general3A_34 = tpu.matmul %convert_element_type3A_33, %convert_element_type3A_30, %dot_general3A {dimension_numbers = #tpu.dot_dimension_numbers<[1], [0], [0], [1], [0, 0, 1, 1], [], []>, transpose_lhs_hint = false} : vector<32x32xf32>, vector<32x1xf32>, vector<32x1xf32> -> vector<32x1xf32>
    %reduce_sum3A = vector.shape_cast %convert_element_type3A_30 : vector<32x1xf32> to vector<1x32x1xf32>
    %reduce_sum3A_35 = arith.constant dense<0.000000e+00> : vector<1xf32>
    %reduce_sum3A_36 = vector.multi_reduction <add>, %reduce_sum3A, %reduce_sum3A_35 [1, 2] : vector<1x32x1xf32> to vector<1xf32>
    %reduce_sum3A_37 = vector.shape_cast %reduce_sum3A_36 : vector<1xf32> to vector<1x1x1xf32>
    %reduce_sum3A_38 = vector.extract %reduce_sum3A_37[0, 0, 0] : f32 from vector<1x1x1xf32>
    %iota3A_39 = tpu.iota {dimensions = array<i32: 1>} : vector<1x64xi32>
    %convert_element_type3A_40 = arith.sitofp %iota3A_39 : vector<1x64xi32> to vector<1x64xf32>
    %lt3A = vector.broadcast %reduce_sum3A_38 : f32 to vector<1x64xf32>
    %lt3A_41 = arith.cmpf olt, %convert_element_type3A_40, %lt3A : vector<1x64xf32>
    %broadcast_in_dim3A = vector.shape_cast %convert_element_type3A_40 : vector<1x64xf32> to vector<1x64xf32>
    %broadcast_in_dim3A_42 = vector.broadcast %broadcast_in_dim3A : vector<1x64xf32> to vector<32x64xf32>
    %broadcast_in_dim3A_43 = vector.shape_cast %dot_general3A_34 : vector<32x1xf32> to vector<32x1xf32>
    %broadcast_in_dim3A_44 = vector.broadcast %broadcast_in_dim3A_43 : vector<32x1xf32> to vector<32x64xf32>
    %le3A = arith.cmpf ole, %broadcast_in_dim3A_44, %broadcast_in_dim3A_42 : vector<32x64xf32>
    %add3A_45 = arith.addf %dot_general3A_34, %convert_element_type3A_30 : vector<32x1xf32>
    %broadcast_in_dim3A_46 = vector.shape_cast %add3A_45 : vector<32x1xf32> to vector<32x1xf32>
    %broadcast_in_dim3A_47 = vector.broadcast %broadcast_in_dim3A_46 : vector<32x1xf32> to vector<32x64xf32>
    %lt3A_48 = arith.cmpf olt, %broadcast_in_dim3A_42, %broadcast_in_dim3A_47 : vector<32x64xf32>
    %and3A_49 = arith.andi %le3A, %lt3A_48 : vector<32x64xi1>
    %convert_element_type3A_50 = arith.extui %and3A_49 : vector<32x64xi1> to vector<32x64xi32>
    %convert_element_type3A_51 = arith.sitofp %convert_element_type3A_50 : vector<32x64xi32> to vector<32x64xf32>
    %iota3A_52 = tpu.iota {dimensions = array<i32: 0>} : vector<32x1xi32>
    %convert_element_type3A_53 = arith.sitofp %iota3A_52 : vector<32x1xi32> to vector<32x1xf32>
    %dot_general3A_54 = arith.constant dense<0.000000e+00> : vector<1x64xf32>
    %dot_general3A_55 = tpu.matmul %convert_element_type3A_53, %convert_element_type3A_51, %dot_general3A_54 {dimension_numbers = #tpu.dot_dimension_numbers<[0], [0], [1], [1], [0, 1, 1, 1], [], []>, transpose_lhs_hint = false} : vector<32x1xf32>, vector<32x64xf32>, vector<1x64xf32> -> vector<1x64xf32>
    %dot_general3A_56 = arith.constant dense<0.000000e+00> : vector<1x64xf32>
    %dot_general3A_57 = tpu.matmul %dot_general3A_34, %convert_element_type3A_51, %dot_general3A_56 {dimension_numbers = #tpu.dot_dimension_numbers<[0], [0], [1], [1], [0, 1, 1, 1], [], []>, transpose_lhs_hint = false} : vector<32x1xf32>, vector<32x64xf32>, vector<1x64xf32> -> vector<1x64xf32>
    %sub3A_58 = arith.subf %convert_element_type3A_40, %dot_general3A_57 : vector<1x64xf32>
    %convert_element_type3A_59 = arith.extui %lt3A_41 : vector<1x64xi1> to vector<1x64xi32>
    %swap3A = arith.constant 0 : index
    %swap3A_60 = arith.constant 0 : index
    %swap3A_61 = vector.load %arg3[%swap3A, %swap3A_60] : memref<1x64xi32, #tpu.memory_space<vmem>>, vector<1x64xi32>
    tpu.vector_store %arg3[%swap3A, %swap3A_60], %convert_element_type3A_59 {strides = array<i32>} : memref<1x64xi32, #tpu.memory_space<vmem>>, vector<1x64xi32>,
    %div3A_62 = arith.constant 4.000000e+00 : f32
    %div3A_63 = vector.broadcast %div3A_62 : f32 to vector<1x64xf32>
    %div3A_64 = arith.divf %dot_general3A_55, %div3A_63 : vector<1x64xf32>
    %jit3A_65 = arith.constant 0.000000e+00 : f32
    %broadcast_in_dim3A_66 = vector.broadcast %jit3A_65 : f32 to vector<1x64xf32>
    %select_n3A_67 = arith.select %lt3A_41, %div3A_64, %broadcast_in_dim3A_66 : vector<1x64xi1>, vector<1x64xf32>
    %convert_element_type3A_68 = arith.fptosi %select_n3A_67 : vector<1x64xf32> to vector<1x64xi32>
    %swap3A_69 = arith.constant 0 : index
    %swap3A_70 = arith.constant 0 : index
    %swap3A_71 = vector.load %arg4[%swap3A_69, %swap3A_70] : memref<1x64xi32, #tpu.memory_space<vmem>>, vector<1x64xi32>
    tpu.vector_store %arg4[%swap3A_69, %swap3A_70], %convert_element_type3A_68 {strides = array<i32>} : memref<1x64xi32, #tpu.memory_space<vmem>>, vector<1x64xi32>,
    %iota3A_72 = tpu.iota {dimensions = array<i32: 1>} : vector<1x128xi32>
    %iota3A_73 = tpu.iota {dimensions = array<i32: 0>} : vector<64x128xi32>
    %iota3A_74 = tpu.iota {dimensions = array<i32: 1>} : vector<64x128xi32>
    %jit3A_75 = arith.constant 2 : i32
    %div3A_76 = vector.broadcast %jit3A_75 : i32 to vector<64x128xi32>
    %div3A_77 = arith.divsi %iota3A_74, %div3A_76 : vector<64x128xi32>
    %sign3A_78 = arith.constant 0 : i32
    %sign3A_79 = vector.broadcast %sign3A_78 : i32 to vector<64x128xi32>
    %sign3A_80 = arith.cmpi sgt, %iota3A_74, %sign3A_79 : vector<64x128xi32>
    %sign3A_81 = arith.extui %sign3A_80 : vector<64x128xi1> to vector<64x128xi32>
    %sign3A_82 = arith.constant 0 : i32
    %sign3A_83 = vector.broadcast %sign3A_82 : i32 to vector<64x128xi32>
    %sign3A_84 = arith.cmpi slt, %iota3A_74, %sign3A_83 : vector<64x128xi32>
    %sign3A_85 = arith.extui %sign3A_84 : vector<64x128xi1> to vector<64x128xi32>
    %sign3A_86 = arith.subi %sign3A_81, %sign3A_85 : vector<64x128xi32>
    %sign3A_87 = arith.constant 0 : i32
    %sign3A_88 = arith.cmpi sgt, %jit3A_75, %sign3A_87 : i32
    %sign3A_89 = arith.extui %sign3A_88 : i1 to i32
    %sign3A_90 = arith.constant 0 : i32
    %sign3A_91 = arith.cmpi slt, %jit3A_75, %sign3A_90 : i32
    %sign3A_92 = arith.extui %sign3A_91 : i1 to i32
    %sign3A_93 = arith.subi %sign3A_89, %sign3A_92 : i32
    %ne3A_94 = vector.broadcast %sign3A_93 : i32 to vector<64x128xi32>
    %ne3A_95 = arith.cmpi ne, %sign3A_86, %ne3A_94 : vector<64x128xi32>
    %rem3A_96 = vector.broadcast %jit3A_75 : i32 to vector<64x128xi32>
    %rem3A_97 = arith.remsi %iota3A_74, %rem3A_96 : vector<64x128xi32>
    %ne3A_98 = arith.constant 0 : i32
    %ne3A_99 = vector.broadcast %ne3A_98 : i32 to vector<64x128xi32>
    %ne3A_100 = arith.cmpi ne, %rem3A_97, %ne3A_99 : vector<64x128xi32>
    %and3A_101 = arith.andi %ne3A_95, %ne3A_100 : vector<64x128xi1>
    %sub3A_102 = arith.constant 1 : i32
    %sub3A_103 = vector.broadcast %sub3A_102 : i32 to vector<64x128xi32>
    %sub3A_104 = arith.subi %div3A_77, %sub3A_103 : vector<64x128xi32>
    %select_n3A_105 = arith.select %and3A_101, %sub3A_104, %div3A_77 : vector<64x128xi1>, vector<64x128xi32>
    %eq3A = arith.cmpi eq, %iota3A_73, %select_n3A_105 : vector<64x128xi32>
    %convert_element_type3A_106 = arith.extui %eq3A : vector<64x128xi1> to vector<64x128xi32>
    %convert_element_type3A_107 = arith.sitofp %convert_element_type3A_106 : vector<64x128xi32> to vector<64x128xf32>
    %dot_general3A_108 = arith.constant dense<0.000000e+00> : vector<1x128xf32>
    %dot_general3A_109 = tpu.matmul %dot_general3A_55, %convert_element_type3A_107, %dot_general3A_108 {dimension_numbers = #tpu.dot_dimension_numbers<[1], [0], [0], [1], [0, 0, 1, 1], [], []>, transpose_lhs_hint = false} : vector<1x64xf32>, vector<64x128xf32>, vector<1x128xf32> -> vector<1x128xf32>
    %dot_general3A_110 = arith.constant dense<0.000000e+00> : vector<1x128xf32>
    %dot_general3A_111 = tpu.matmul %sub3A_58, %convert_element_type3A_107, %dot_general3A_110 {dimension_numbers = #tpu.dot_dimension_numbers<[1], [0], [0], [1], [0, 0, 1, 1], [], []>, transpose_lhs_hint = false} : vector<1x64xf32>, vector<64x128xf32>, vector<1x128xf32> -> vector<1x128xf32>
    %convert_element_type3A_112 = arith.extui %lt3A_41 : vector<1x64xi1> to vector<1x64xi32>
    %convert_element_type3A_113 = arith.sitofp %convert_element_type3A_112 : vector<1x64xi32> to vector<1x64xf32>
    %dot_general3A_114 = arith.constant dense<0.000000e+00> : vector<1x128xf32>
    %dot_general3A_115 = tpu.matmul %convert_element_type3A_113, %convert_element_type3A_107, %dot_general3A_114 {dimension_numbers = #tpu.dot_dimension_numbers<[1], [0], [0], [1], [0, 0, 1, 1], [], []>, transpose_lhs_hint = false} : vector<1x64xf32>, vector<64x128xf32>, vector<1x128xf32> -> vector<1x128xf32>
    %rem3A_116 = arith.constant 2 : i32
    %rem3A_117 = vector.broadcast %rem3A_116 : i32 to vector<1x128xi32>
    %rem3A_118 = arith.remsi %iota3A_72, %rem3A_117 : vector<1x128xi32>
    %convert_element_type3A_119 = arith.sitofp %rem3A_118 : vector<1x128xi32> to vector<1x128xf32>
    %mul3A = arith.constant 8.000000e+00 : f32
    %mul3A_120 = vector.broadcast %mul3A : f32 to vector<1x128xf32>
    %mul3A_121 = arith.mulf %dot_general3A_109, %mul3A_120 : vector<1x128xf32>
    %mul3A_122 = arith.constant 2.000000e+00 : f32
    %mul3A_123 = vector.broadcast %mul3A_122 : f32 to vector<1x128xf32>
    %mul3A_124 = arith.mulf %dot_general3A_111, %mul3A_123 : vector<1x128xf32>
    %add3A_125 = arith.addf %mul3A_121, %mul3A_124 : vector<1x128xf32>
    %add3A_126 = arith.addf %add3A_125, %convert_element_type3A_119 : vector<1x128xf32>
    %iota3A_127 = tpu.iota {dimensions = array<i32: 0>} : vector<128x128xi32>
    %iota3A_128 = tpu.iota {dimensions = array<i32: 1>} : vector<128x128xi32>
    %eq3A_129 = arith.cmpi eq, %iota3A_127, %iota3A_128 : vector<128x128xi32>
    %convert_element_type3A_130 = arith.extui %eq3A_129 : vector<128x128xi1> to vector<128x128xi32>
    %convert_element_type3A_131 = arith.sitofp %convert_element_type3A_130 : vector<128x128xi32> to vector<128x128xf32>
    %dot_general3A_132 = arith.constant dense<0.000000e+00> : vector<128x1xf32>
    %dot_general3A_133 = tpu.matmul %convert_element_type3A_131, %add3A_126, %dot_general3A_132 {dimension_numbers = #tpu.dot_dimension_numbers<[1], [1], [0], [0], [0, 0, 1, 0], [], []>, transpose_lhs_hint = false} : vector<128x128xf32>, vector<1x128xf32>, vector<128x1xf32> -> vector<128x1xf32>
    %dot_general3A_134 = arith.constant dense<0.000000e+00> : vector<128x1xf32>
    %dot_general3A_135 = tpu.matmul %convert_element_type3A_131, %dot_general3A_115, %dot_general3A_134 {dimension_numbers = #tpu.dot_dimension_numbers<[1], [1], [0], [0], [0, 0, 1, 0], [], []>, transpose_lhs_hint = false} : vector<128x128xf32>, vector<1x128xf32>, vector<128x1xf32> -> vector<128x1xf32>
    %broadcast_in_dim3A_136 = vector.shape_cast %dot_general3A_133 : vector<128x1xf32> to vector<128x1xf32>
    %broadcast_in_dim3A_137 = vector.broadcast %broadcast_in_dim3A_136 : vector<128x1xf32> to vector<128x256xf32>
    %iota3A_138 = tpu.iota {dimensions = array<i32: 1>} : vector<128x256xi32>
    %convert_element_type3A_139 = arith.sitofp %iota3A_138 : vector<128x256xi32> to vector<128x256xf32>
    %eq3A_140 = arith.cmpf oeq, %broadcast_in_dim3A_137, %convert_element_type3A_139 : vector<128x256xf32>
    %broadcast_in_dim3A_141 = vector.shape_cast %dot_general3A_135 : vector<128x1xf32> to vector<128x1xf32>
    %broadcast_in_dim3A_142 = vector.broadcast %broadcast_in_dim3A_141 : vector<128x1xf32> to vector<128x256xf32>
    %gt3A_143 = arith.constant 0.000000e+00 : f32
    %gt3A_144 = vector.broadcast %gt3A_143 : f32 to vector<128x256xf32>
    %gt3A_145 = arith.cmpf ogt, %broadcast_in_dim3A_142, %gt3A_144 : vector<128x256xf32>
    %and3A_146 = arith.andi %eq3A_140, %gt3A_145 : vector<128x256xi1>
    %convert_element_type3A_147 = arith.extui %and3A_146 : vector<128x256xi1> to vector<128x256xi32>
    %convert_element_type3A_148 = arith.sitofp %convert_element_type3A_147 : vector<128x256xi32> to vector<128x256xf32>
    %get3A_149 = arith.constant 0 : index
    %get3A_150 = arith.constant 0 : index
    %get3A_151 = vector.load %arg1[%get3A_149, %get3A_150] : memref<256x64xf32, #tpu.memory_space<vmem>>, vector<256x64xf32>
    %dot_general3A_152 = arith.constant dense<0.000000e+00> : vector<128x64xf32>
    %dot_general3A_153 = tpu.matmul %convert_element_type3A_148, %get3A_151, %dot_general3A_152 {dimension_numbers = #tpu.dot_dimension_numbers<[1], [0], [0], [1], [0, 0, 1, 1], [], []>, transpose_lhs_hint = false} : vector<128x256xf32>, vector<256x64xf32>, vector<128x64xf32> -> vector<128x64xf32>
    %convert_element_type3A_154 = arith.fptosi %dot_general3A_153 : vector<128x64xf32> to vector<128x64xi32>
    %swap3A_155 = arith.constant 0 : index
    %swap3A_156 = arith.constant 0 : index
    %swap3A_157 = vector.load %arg5[%swap3A_155, %swap3A_156] : memref<128x64xi32, #tpu.memory_space<vmem>>, vector<128x64xi32>
    tpu.vector_store %arg5[%swap3A_155, %swap3A_156], %convert_element_type3A_154 {strides = array<i32>} : memref<128x64xi32, #tpu.memory_space<vmem>>, vector<128x64xi32>,
    %get3A_158 = arith.constant 0 : index
    %get3A_159 = arith.constant 0 : index
    %get3A_160 = vector.load %arg2[%get3A_158, %get3A_159] : memref<256x64xf32, #tpu.memory_space<vmem>>, vector<256x64xf32>
    %dot_general3A_161 = arith.constant dense<0.000000e+00> : vector<128x64xf32>
    %dot_general3A_162 = tpu.matmul %convert_element_type3A_148, %get3A_160, %dot_general3A_161 {dimension_numbers = #tpu.dot_dimension_numbers<[1], [0], [0], [1], [0, 0, 1, 1], [], []>, transpose_lhs_hint = false} : vector<128x256xf32>, vector<256x64xf32>, vector<128x64xf32> -> vector<128x64xf32>
    %swap3A_163 = arith.constant 0 : index
    %swap3A_164 = arith.constant 0 : index
    %swap3A_165 = vector.load %arg6[%swap3A_163, %swap3A_164] : memref<128x64xf32, #tpu.memory_space<vmem>>, vector<128x64xf32>
    tpu.vector_store %arg6[%swap3A_163, %swap3A_164], %dot_general3A_162 {strides = array<i32>} : memref<128x64xf32, #tpu.memory_space<vmem>>, vector<128x64xf32>,
    return
  }
}

module attributes {stable_mosaic.version = 14 : i64} {
  func.func @_compact_body(%arg0: i32, %arg1: memref<32x128xf32, #tpu.memory_space<vmem>>, %arg2: memref<8x2048xf32, #tpu.memory_space<vmem>>, %arg3: memref<1x4x512xf32, #tpu.memory_space<vmem>>, %arg4: memref<1x4x512xf32, #tpu.memory_space<vmem>>, %arg5: memref<2x2048xf32, #tpu.memory_space<vmem>>) attributes {dimension_semantics = [#tpu.dimension_semantics<arbitrary>], iteration_bounds = array<i64: 8>, scalar_prefetch = 0 : i64, scratch_operands = 0 : i64, tpu.core_type = #tpu.core_type<tc>, window_params = [{pipeline_mode = #tpu.pipeline_mode<synchronous>, transform_indices = @transform_0, window_bounds = array<i64: 32, 128>}, {pipeline_mode = #tpu.pipeline_mode<synchronous>, transform_indices = @transform_1, window_bounds = array<i64: 8, 2048>}, {transform_indices = @transform_2, window_bounds = array<i64: 1, 4, 512>}, {transform_indices = @transform_3, window_bounds = array<i64: 1, 4, 512>}, {pipeline_mode = #tpu.pipeline_mode<synchronous>, transform_indices = @transform_4, window_bounds = array<i64: 2, 2048>}]} {
    %convert_element_type3A = arith.sitofp %arg0 : i32 to f32
    %get3A = arith.constant 0 : index
    %get3A_0 = arith.constant 0 : index
    %get3A_1 = vector.load %arg1[%get3A, %get3A_0] : memref<32x128xf32, #tpu.memory_space<vmem>>, vector<32x128xf32>
    %slice3A = vector.extract_strided_slice %get3A_1 {offsets = [0, 0], sizes = [32, 1], strides = [1, 1]} : vector<32x128xf32> to vector<32x1xf32>
    %convert_element_type3A_2 = arith.fptosi %slice3A : vector<32x1xf32> to vector<32x1xi32>
    %add3A = arith.constant 128 : i32
    %add3A_3 = vector.broadcast %add3A : i32 to vector<32x1xi32>
    %add3A_4 = arith.addi %convert_element_type3A_2, %add3A_3 : vector<32x1xi32>
    %sub3A = arith.constant 1 : i32
    %sub3A_5 = vector.broadcast %sub3A : i32 to vector<32x1xi32>
    %sub3A_6 = arith.subi %add3A_4, %sub3A_5 : vector<32x1xi32>
    %jit3A = arith.constant 128 : i32
    %div3A = vector.broadcast %jit3A : i32 to vector<32x1xi32>
    %div3A_7 = arith.divsi %sub3A_6, %div3A : vector<32x1xi32>
    %sign3A = arith.constant 0 : i32
    %sign3A_8 = vector.broadcast %sign3A : i32 to vector<32x1xi32>
    %sign3A_9 = arith.cmpi sgt, %sub3A_6, %sign3A_8 : vector<32x1xi32>
    %sign3A_10 = arith.extui %sign3A_9 : vector<32x1xi1> to vector<32x1xi32>
    %sign3A_11 = arith.constant 0 : i32
    %sign3A_12 = vector.broadcast %sign3A_11 : i32 to vector<32x1xi32>
    %sign3A_13 = arith.cmpi slt, %sub3A_6, %sign3A_12 : vector<32x1xi32>
    %sign3A_14 = arith.extui %sign3A_13 : vector<32x1xi1> to vector<32x1xi32>
    %sign3A_15 = arith.subi %sign3A_10, %sign3A_14 : vector<32x1xi32>
    %sign3A_16 = arith.constant 0 : i32
    %sign3A_17 = arith.cmpi sgt, %jit3A, %sign3A_16 : i32
    %sign3A_18 = arith.extui %sign3A_17 : i1 to i32
    %sign3A_19 = arith.constant 0 : i32
    %sign3A_20 = arith.cmpi slt, %jit3A, %sign3A_19 : i32
    %sign3A_21 = arith.extui %sign3A_20 : i1 to i32
    %sign3A_22 = arith.subi %sign3A_18, %sign3A_21 : i32
    %ne3A = vector.broadcast %sign3A_22 : i32 to vector<32x1xi32>
    %ne3A_23 = arith.cmpi ne, %sign3A_15, %ne3A : vector<32x1xi32>
    %rem3A = vector.broadcast %jit3A : i32 to vector<32x1xi32>
    %rem3A_24 = arith.remsi %sub3A_6, %rem3A : vector<32x1xi32>
    %ne3A_25 = arith.constant 0 : i32
    %ne3A_26 = vector.broadcast %ne3A_25 : i32 to vector<32x1xi32>
    %ne3A_27 = arith.cmpi ne, %rem3A_24, %ne3A_26 : vector<32x1xi32>
    %and3A = arith.andi %ne3A_23, %ne3A_27 : vector<32x1xi1>
    %sub3A_28 = arith.constant 1 : i32
    %sub3A_29 = vector.broadcast %sub3A_28 : i32 to vector<32x1xi32>
    %sub3A_30 = arith.subi %div3A_7, %sub3A_29 : vector<32x1xi32>
    %select_n3A = arith.select %and3A, %sub3A_30, %div3A_7 : vector<32x1xi1>, vector<32x1xi32>
    %convert_element_type3A_31 = arith.sitofp %select_n3A : vector<32x1xi32> to vector<32x1xf32>
    %iota3A = tpu.iota {dimensions = array<i32: 0>} : vector<32x32xi32>
    %iota3A_32 = tpu.iota {dimensions = array<i32: 1>} : vector<32x32xi32>
    %gt3A = arith.cmpi sgt, %iota3A, %iota3A_32 : vector<32x32xi32>
    %convert_element_type3A_33 = arith.extui %gt3A : vector<32x32xi1> to vector<32x32xi32>
    %convert_element_type3A_34 = arith.sitofp %convert_element_type3A_33 : vector<32x32xi32> to vector<32x32xf32>
    %dot_general3A = arith.constant dense<0.000000e+00> : vector<32x1xf32>
    %dot_general3A_35 = tpu.matmul %convert_element_type3A_34, %convert_element_type3A_31, %dot_general3A {dimension_numbers = #tpu.dot_dimension_numbers<[1], [0], [0], [1], [0, 0, 1, 1], [], []>, transpose_lhs_hint = false} : vector<32x32xf32>, vector<32x1xf32>, vector<32x1xf32> -> vector<32x1xf32>
    %iota3A_36 = tpu.iota {dimensions = array<i32: 0>} : vector<32x1xi32>
    %eq3A = arith.constant 0 : i32
    %eq3A_37 = arith.cmpi eq, %arg0, %eq3A : i32
    %convert_element_type3A_38 = arith.extui %eq3A_37 : i1 to i32
    %cond3A = arith.constant 0 : i32
    %cond3A_39 = arith.cmpi ne, %convert_element_type3A_38, %cond3A : i32
    scf.if %cond3A_39 {
      %broadcast_in_dim3A_455 = arith.constant 0.000000e+00 : f32
      %broadcast_in_dim3A_456 = vector.broadcast %broadcast_in_dim3A_455 : f32 to vector<2x2048xf32>
      %swap3A_457 = arith.constant 0 : index
      %swap3A_458 = arith.constant 0 : index
      %swap3A_459 = vector.load %arg5[%swap3A_457, %swap3A_458] : memref<2x2048xf32, #tpu.memory_space<vmem>>, vector<2x2048xf32>
      tpu.vector_store %arg5[%swap3A_457, %swap3A_458], %broadcast_in_dim3A_456 {strides = array<i32>} : memref<2x2048xf32, #tpu.memory_space<vmem>>, vector<2x2048xf32>,
    } else {
    }
    %iota3A_40 = tpu.iota {dimensions = array<i32: 0>} : vector<512x512xi32>
    %iota3A_41 = tpu.iota {dimensions = array<i32: 1>} : vector<512x512xi32>
    %le3A = arith.cmpi sle, %iota3A_40, %iota3A_41 : vector<512x512xi32>
    %convert_element_type3A_42 = arith.extui %le3A : vector<512x512xi1> to vector<512x512xi32>
    %convert_element_type3A_43 = arith.sitofp %convert_element_type3A_42 : vector<512x512xi32> to vector<512x512xf32>
    %iota3A_44 = tpu.iota {dimensions = array<i32: 0>} : vector<512x512xi32>
    %add3A_45 = arith.constant 1 : i32
    %add3A_46 = vector.broadcast %add3A_45 : i32 to vector<512x512xi32>
    %add3A_47 = arith.addi %iota3A_44, %add3A_46 : vector<512x512xi32>
    %convert_element_type3A_48 = arith.sitofp %add3A_47 : vector<512x512xi32> to vector<512x512xf32>
    %get3A_49 = arith.constant 0 : index
    %get3A_50 = arith.constant 0 : index
    %get3A_51 = vector.load %arg2[%get3A_49, %get3A_50] : memref<8x2048xf32, #tpu.memory_space<vmem>>, vector<1x512xf32>
    %get3A_52 = arith.constant 1 : index
    %get3A_53 = arith.constant 0 : index
    %get3A_54 = vector.load %arg2[%get3A_52, %get3A_53] : memref<8x2048xf32, #tpu.memory_space<vmem>>, vector<1x512xf32>
    %get3A_55 = arith.constant 2 : index
    %get3A_56 = arith.constant 0 : index
    %get3A_57 = vector.load %arg2[%get3A_55, %get3A_56] : memref<8x2048xf32, #tpu.memory_space<vmem>>, vector<1x512xf32>
    %get3A_58 = arith.constant 3 : index
    %get3A_59 = arith.constant 0 : index
    %get3A_60 = vector.load %arg2[%get3A_58, %get3A_59] : memref<8x2048xf32, #tpu.memory_space<vmem>>, vector<1x512xf32>
    %eq3A_61 = vector.broadcast %convert_element_type3A : f32 to vector<1x512xf32>
    %eq3A_62 = arith.cmpf oeq, %get3A_51, %eq3A_61 : vector<1x512xf32>
    %eq3A_63 = vector.broadcast %convert_element_type3A : f32 to vector<1x512xf32>
    %eq3A_64 = arith.cmpf oeq, %get3A_54, %eq3A_63 : vector<1x512xf32>
    %or3A = arith.ori %eq3A_62, %eq3A_64 : vector<1x512xi1>
    %convert_element_type3A_65 = arith.extui %or3A : vector<1x512xi1> to vector<1x512xi32>
    %convert_element_type3A_66 = arith.sitofp %convert_element_type3A_65 : vector<1x512xi32> to vector<1x512xf32>
    %jit3A_67 = arith.constant 0.000000e+00 : f32
    %broadcast_in_dim3A = vector.broadcast %jit3A_67 : f32 to vector<1x512xf32>
    %select_n3A_68 = arith.select %eq3A_62, %get3A_57, %broadcast_in_dim3A : vector<1x512xi1>, vector<1x512xf32>
    %jit3A_69 = arith.constant 0.000000e+00 : f32
    %broadcast_in_dim3A_70 = vector.broadcast %jit3A_69 : f32 to vector<1x512xf32>
    %select_n3A_71 = arith.select %eq3A_64, %get3A_60, %broadcast_in_dim3A_70 : vector<1x512xi1>, vector<1x512xf32>
    %add3A_72 = arith.addf %select_n3A_68, %select_n3A_71 : vector<1x512xf32>
    %dot_general3A_73 = arith.constant dense<0.000000e+00> : vector<1x512xf32>
    %dot_general3A_74 = tpu.matmul %convert_element_type3A_66, %convert_element_type3A_43, %dot_general3A_73 {dimension_numbers = #tpu.dot_dimension_numbers<[1], [0], [0], [1], [0, 0, 1, 1], [], []>, transpose_lhs_hint = false} : vector<1x512xf32>, vector<512x512xf32>, vector<1x512xf32> -> vector<1x512xf32>
    %broadcast_in_dim3A_75 = vector.shape_cast %dot_general3A_74 : vector<1x512xf32> to vector<1x512xf32>
    %broadcast_in_dim3A_76 = vector.broadcast %broadcast_in_dim3A_75 : vector<1x512xf32> to vector<512x512xf32>
    %eq3A_77 = arith.cmpf oeq, %broadcast_in_dim3A_76, %convert_element_type3A_48 : vector<512x512xf32>
    %broadcast_in_dim3A_78 = vector.shape_cast %convert_element_type3A_66 : vector<1x512xf32> to vector<1x512xf32>
    %broadcast_in_dim3A_79 = vector.broadcast %broadcast_in_dim3A_78 : vector<1x512xf32> to vector<512x512xf32>
    %gt3A_80 = arith.constant 0.000000e+00 : f32
    %gt3A_81 = vector.broadcast %gt3A_80 : f32 to vector<512x512xf32>
    %gt3A_82 = arith.cmpf ogt, %broadcast_in_dim3A_79, %gt3A_81 : vector<512x512xf32>
    %and3A_83 = arith.andi %eq3A_77, %gt3A_82 : vector<512x512xi1>
    %convert_element_type3A_84 = arith.extui %and3A_83 : vector<512x512xi1> to vector<512x512xi32>
    %convert_element_type3A_85 = arith.sitofp %convert_element_type3A_84 : vector<512x512xi32> to vector<512x512xf32>
    %iota3A_86 = tpu.iota {dimensions = array<i32: 1>} : vector<1x512xi32>
    %add3A_87 = arith.constant 0 : i32
    %add3A_88 = vector.broadcast %add3A_87 : i32 to vector<1x512xi32>
    %add3A_89 = arith.addi %add3A_88, %iota3A_86 : vector<1x512xi32>
    %convert_element_type3A_90 = arith.sitofp %add3A_89 : vector<1x512xi32> to vector<1x512xf32>
    %dot_general3A_91 = arith.constant dense<0.000000e+00> : vector<1x512xf32>
    %dot_general3A_92 = tpu.matmul %convert_element_type3A_90, %convert_element_type3A_85, %dot_general3A_91 {dimension_numbers = #tpu.dot_dimension_numbers<[1], [1], [0], [0], [0, 0, 1, 0], [], []>, transpose_lhs_hint = false} : vector<1x512xf32>, vector<512x512xf32>, vector<1x512xf32> -> vector<1x512xf32>
    %squeeze3A = vector.shape_cast %dot_general3A_92 : vector<1x512xf32> to vector<512xf32>
    %swap3A = arith.constant 0 : index
    %swap3A_93 = arith.constant 0 : index
    %swap3A_94 = arith.constant 0 : index
    %swap3A_95 = vector.load %arg3[%swap3A, %swap3A_93, %swap3A_94] : memref<1x4x512xf32, #tpu.memory_space<vmem>>, vector<1x1x512xf32>
    %swap3A_96 = vector.shape_cast %swap3A_95 : vector<1x1x512xf32> to vector<512xf32>
    %swap3A_97 = vector.shape_cast %squeeze3A : vector<512xf32> to vector<1x1x512xf32>
    tpu.vector_store %arg3[%swap3A, %swap3A_93, %swap3A_94], %swap3A_97 {strides = array<i32>} : memref<1x4x512xf32, #tpu.memory_space<vmem>>, vector<1x1x512xf32>,
    %dot_general3A_98 = arith.constant dense<0.000000e+00> : vector<1x512xf32>
    %dot_general3A_99 = tpu.matmul %add3A_72, %convert_element_type3A_85, %dot_general3A_98 {dimension_numbers = #tpu.dot_dimension_numbers<[1], [1], [0], [0], [0, 0, 1, 0], [], []>, transpose_lhs_hint = false} : vector<1x512xf32>, vector<512x512xf32>, vector<1x512xf32> -> vector<1x512xf32>
    %squeeze3A_100 = vector.shape_cast %dot_general3A_99 : vector<1x512xf32> to vector<512xf32>
    %swap3A_101 = arith.constant 0 : index
    %swap3A_102 = arith.constant 0 : index
    %swap3A_103 = arith.constant 0 : index
    %swap3A_104 = vector.load %arg4[%swap3A_101, %swap3A_102, %swap3A_103] : memref<1x4x512xf32, #tpu.memory_space<vmem>>, vector<1x1x512xf32>
    %swap3A_105 = vector.shape_cast %swap3A_104 : vector<1x1x512xf32> to vector<512xf32>
    %swap3A_106 = vector.shape_cast %squeeze3A_100 : vector<512xf32> to vector<1x1x512xf32>
    tpu.vector_store %arg4[%swap3A_101, %swap3A_102, %swap3A_103], %swap3A_106 {strides = array<i32>} : memref<1x4x512xf32, #tpu.memory_space<vmem>>, vector<1x1x512xf32>,
    %mul3A = arith.constant 4 : i32
    %mul3A_107 = arith.muli %arg0, %mul3A : i32
    %add3A_108 = arith.constant 0 : i32
    %add3A_109 = arith.addi %mul3A_107, %add3A_108 : i32
    %eq3A_110 = vector.broadcast %add3A_109 : i32 to vector<32x1xi32>
    %eq3A_111 = arith.cmpi eq, %iota3A_36, %eq3A_110 : vector<32x1xi32>
    %jit3A_112 = arith.constant 0.000000e+00 : f32
    %broadcast_in_dim3A_113 = vector.broadcast %jit3A_112 : f32 to vector<32x1xf32>
    %select_n3A_114 = arith.select %eq3A_111, %dot_general3A_35, %broadcast_in_dim3A_113 : vector<32x1xi1>, vector<32x1xf32>
    %reduce_sum3A = vector.shape_cast %select_n3A_114 : vector<32x1xf32> to vector<1x32x1xf32>
    %reduce_sum3A_115 = arith.constant dense<0.000000e+00> : vector<1xf32>
    %reduce_sum3A_116 = vector.multi_reduction <add>, %reduce_sum3A, %reduce_sum3A_115 [1, 2] : vector<1x32x1xf32> to vector<1xf32>
    %reduce_sum3A_117 = vector.shape_cast %reduce_sum3A_116 : vector<1xf32> to vector<1x1x1xf32>
    %reduce_sum3A_118 = vector.extract %reduce_sum3A_117[0, 0, 0] : f32 from vector<1x1x1xf32>
    %mul3A_119 = arith.constant 1.280000e+02 : f32
    %mul3A_120 = arith.mulf %reduce_sum3A_118, %mul3A_119 : f32
    %add3A_121 = vector.broadcast %mul3A_120 : f32 to vector<1x512xf32>
    %add3A_122 = arith.addf %add3A_121, %dot_general3A_74 : vector<1x512xf32>
    %sub3A_123 = arith.constant 1.000000e+00 : f32
    %sub3A_124 = vector.broadcast %sub3A_123 : f32 to vector<1x512xf32>
    %sub3A_125 = arith.subf %add3A_122, %sub3A_124 : vector<1x512xf32>
    %get3A_126 = arith.constant 0 : index
    %get3A_127 = arith.constant 0 : index
    %get3A_128 = vector.load %arg5[%get3A_126, %get3A_127] : memref<2x2048xf32, #tpu.memory_space<vmem>>, vector<1x512xf32>
    %jit3A_129 = arith.constant 0.000000e+00 : f32
    %broadcast_in_dim3A_130 = vector.broadcast %jit3A_129 : f32 to vector<1x512xf32>
    %select_n3A_131 = arith.select %eq3A_62, %sub3A_125, %broadcast_in_dim3A_130 : vector<1x512xi1>, vector<1x512xf32>
    %add3A_132 = arith.addf %get3A_128, %select_n3A_131 : vector<1x512xf32>
    %swap3A_133 = arith.constant 0 : index
    %swap3A_134 = arith.constant 0 : index
    %swap3A_135 = vector.load %arg5[%swap3A_133, %swap3A_134] : memref<2x2048xf32, #tpu.memory_space<vmem>>, vector<1x512xf32>
    tpu.vector_store %arg5[%swap3A_133, %swap3A_134], %add3A_132 {strides = array<i32>} : memref<2x2048xf32, #tpu.memory_space<vmem>>, vector<1x512xf32>,
    %get3A_136 = arith.constant 1 : index
    %get3A_137 = arith.constant 0 : index
    %get3A_138 = vector.load %arg5[%get3A_136, %get3A_137] : memref<2x2048xf32, #tpu.memory_space<vmem>>, vector<1x512xf32>
    %jit3A_139 = arith.constant 0.000000e+00 : f32
    %broadcast_in_dim3A_140 = vector.broadcast %jit3A_139 : f32 to vector<1x512xf32>
    %select_n3A_141 = arith.select %eq3A_64, %sub3A_125, %broadcast_in_dim3A_140 : vector<1x512xi1>, vector<1x512xf32>
    %add3A_142 = arith.addf %get3A_138, %select_n3A_141 : vector<1x512xf32>
    %swap3A_143 = arith.constant 1 : index
    %swap3A_144 = arith.constant 0 : index
    %swap3A_145 = vector.load %arg5[%swap3A_143, %swap3A_144] : memref<2x2048xf32, #tpu.memory_space<vmem>>, vector<1x512xf32>
    tpu.vector_store %arg5[%swap3A_143, %swap3A_144], %add3A_142 {strides = array<i32>} : memref<2x2048xf32, #tpu.memory_space<vmem>>, vector<1x512xf32>,
    %get3A_146 = arith.constant 0 : index
    %get3A_147 = arith.constant 512 : index
    %get3A_148 = vector.load %arg2[%get3A_146, %get3A_147] : memref<8x2048xf32, #tpu.memory_space<vmem>>, vector<1x512xf32>
    %get3A_149 = arith.constant 1 : index
    %get3A_150 = arith.constant 512 : index
    %get3A_151 = vector.load %arg2[%get3A_149, %get3A_150] : memref<8x2048xf32, #tpu.memory_space<vmem>>, vector<1x512xf32>
    %get3A_152 = arith.constant 2 : index
    %get3A_153 = arith.constant 512 : index
    %get3A_154 = vector.load %arg2[%get3A_152, %get3A_153] : memref<8x2048xf32, #tpu.memory_space<vmem>>, vector<1x512xf32>
    %get3A_155 = arith.constant 3 : index
    %get3A_156 = arith.constant 512 : index
    %get3A_157 = vector.load %arg2[%get3A_155, %get3A_156] : memref<8x2048xf32, #tpu.memory_space<vmem>>, vector<1x512xf32>
    %eq3A_158 = vector.broadcast %convert_element_type3A : f32 to vector<1x512xf32>
    %eq3A_159 = arith.cmpf oeq, %get3A_148, %eq3A_158 : vector<1x512xf32>
    %eq3A_160 = vector.broadcast %convert_element_type3A : f32 to vector<1x512xf32>
    %eq3A_161 = arith.cmpf oeq, %get3A_151, %eq3A_160 : vector<1x512xf32>
    %or3A_162 = arith.ori %eq3A_159, %eq3A_161 : vector<1x512xi1>
    %convert_element_type3A_163 = arith.extui %or3A_162 : vector<1x512xi1> to vector<1x512xi32>
    %convert_element_type3A_164 = arith.sitofp %convert_element_type3A_163 : vector<1x512xi32> to vector<1x512xf32>
    %jit3A_165 = arith.constant 0.000000e+00 : f32
    %broadcast_in_dim3A_166 = vector.broadcast %jit3A_165 : f32 to vector<1x512xf32>
    %select_n3A_167 = arith.select %eq3A_159, %get3A_154, %broadcast_in_dim3A_166 : vector<1x512xi1>, vector<1x512xf32>
    %jit3A_168 = arith.constant 0.000000e+00 : f32
    %broadcast_in_dim3A_169 = vector.broadcast %jit3A_168 : f32 to vector<1x512xf32>
    %select_n3A_170 = arith.select %eq3A_161, %get3A_157, %broadcast_in_dim3A_169 : vector<1x512xi1>, vector<1x512xf32>
    %add3A_171 = arith.addf %select_n3A_167, %select_n3A_170 : vector<1x512xf32>
    %dot_general3A_172 = arith.constant dense<0.000000e+00> : vector<1x512xf32>
    %dot_general3A_173 = tpu.matmul %convert_element_type3A_164, %convert_element_type3A_43, %dot_general3A_172 {dimension_numbers = #tpu.dot_dimension_numbers<[1], [0], [0], [1], [0, 0, 1, 1], [], []>, transpose_lhs_hint = false} : vector<1x512xf32>, vector<512x512xf32>, vector<1x512xf32> -> vector<1x512xf32>
    %broadcast_in_dim3A_174 = vector.shape_cast %dot_general3A_173 : vector<1x512xf32> to vector<1x512xf32>
    %broadcast_in_dim3A_175 = vector.broadcast %broadcast_in_dim3A_174 : vector<1x512xf32> to vector<512x512xf32>
    %eq3A_176 = arith.cmpf oeq, %broadcast_in_dim3A_175, %convert_element_type3A_48 : vector<512x512xf32>
    %broadcast_in_dim3A_177 = vector.shape_cast %convert_element_type3A_164 : vector<1x512xf32> to vector<1x512xf32>
    %broadcast_in_dim3A_178 = vector.broadcast %broadcast_in_dim3A_177 : vector<1x512xf32> to vector<512x512xf32>
    %gt3A_179 = arith.constant 0.000000e+00 : f32
    %gt3A_180 = vector.broadcast %gt3A_179 : f32 to vector<512x512xf32>
    %gt3A_181 = arith.cmpf ogt, %broadcast_in_dim3A_178, %gt3A_180 : vector<512x512xf32>
    %and3A_182 = arith.andi %eq3A_176, %gt3A_181 : vector<512x512xi1>
    %convert_element_type3A_183 = arith.extui %and3A_182 : vector<512x512xi1> to vector<512x512xi32>
    %convert_element_type3A_184 = arith.sitofp %convert_element_type3A_183 : vector<512x512xi32> to vector<512x512xf32>
    %iota3A_185 = tpu.iota {dimensions = array<i32: 1>} : vector<1x512xi32>
    %add3A_186 = arith.constant 512 : i32
    %add3A_187 = vector.broadcast %add3A_186 : i32 to vector<1x512xi32>
    %add3A_188 = arith.addi %add3A_187, %iota3A_185 : vector<1x512xi32>
    %convert_element_type3A_189 = arith.sitofp %add3A_188 : vector<1x512xi32> to vector<1x512xf32>
    %dot_general3A_190 = arith.constant dense<0.000000e+00> : vector<1x512xf32>
    %dot_general3A_191 = tpu.matmul %convert_element_type3A_189, %convert_element_type3A_184, %dot_general3A_190 {dimension_numbers = #tpu.dot_dimension_numbers<[1], [1], [0], [0], [0, 0, 1, 0], [], []>, transpose_lhs_hint = false} : vector<1x512xf32>, vector<512x512xf32>, vector<1x512xf32> -> vector<1x512xf32>
    %squeeze3A_192 = vector.shape_cast %dot_general3A_191 : vector<1x512xf32> to vector<512xf32>
    %swap3A_193 = arith.constant 0 : index
    %swap3A_194 = arith.constant 1 : index
    %swap3A_195 = arith.constant 0 : index
    %swap3A_196 = vector.load %arg3[%swap3A_193, %swap3A_194, %swap3A_195] : memref<1x4x512xf32, #tpu.memory_space<vmem>>, vector<1x1x512xf32>
    %swap3A_197 = vector.shape_cast %swap3A_196 : vector<1x1x512xf32> to vector<512xf32>
    %swap3A_198 = vector.shape_cast %squeeze3A_192 : vector<512xf32> to vector<1x1x512xf32>
    tpu.vector_store %arg3[%swap3A_193, %swap3A_194, %swap3A_195], %swap3A_198 {strides = array<i32>} : memref<1x4x512xf32, #tpu.memory_space<vmem>>, vector<1x1x512xf32>,
    %dot_general3A_199 = arith.constant dense<0.000000e+00> : vector<1x512xf32>
    %dot_general3A_200 = tpu.matmul %add3A_171, %convert_element_type3A_184, %dot_general3A_199 {dimension_numbers = #tpu.dot_dimension_numbers<[1], [1], [0], [0], [0, 0, 1, 0], [], []>, transpose_lhs_hint = false} : vector<1x512xf32>, vector<512x512xf32>, vector<1x512xf32> -> vector<1x512xf32>
    %squeeze3A_201 = vector.shape_cast %dot_general3A_200 : vector<1x512xf32> to vector<512xf32>
    %swap3A_202 = arith.constant 0 : index
    %swap3A_203 = arith.constant 1 : index
    %swap3A_204 = arith.constant 0 : index
    %swap3A_205 = vector.load %arg4[%swap3A_202, %swap3A_203, %swap3A_204] : memref<1x4x512xf32, #tpu.memory_space<vmem>>, vector<1x1x512xf32>
    %swap3A_206 = vector.shape_cast %swap3A_205 : vector<1x1x512xf32> to vector<512xf32>
    %swap3A_207 = vector.shape_cast %squeeze3A_201 : vector<512xf32> to vector<1x1x512xf32>
    tpu.vector_store %arg4[%swap3A_202, %swap3A_203, %swap3A_204], %swap3A_207 {strides = array<i32>} : memref<1x4x512xf32, #tpu.memory_space<vmem>>, vector<1x1x512xf32>,
    %mul3A_208 = arith.constant 4 : i32
    %mul3A_209 = arith.muli %arg0, %mul3A_208 : i32
    %add3A_210 = arith.constant 1 : i32
    %add3A_211 = arith.addi %mul3A_209, %add3A_210 : i32
    %eq3A_212 = vector.broadcast %add3A_211 : i32 to vector<32x1xi32>
    %eq3A_213 = arith.cmpi eq, %iota3A_36, %eq3A_212 : vector<32x1xi32>
    %jit3A_214 = arith.constant 0.000000e+00 : f32
    %broadcast_in_dim3A_215 = vector.broadcast %jit3A_214 : f32 to vector<32x1xf32>
    %select_n3A_216 = arith.select %eq3A_213, %dot_general3A_35, %broadcast_in_dim3A_215 : vector<32x1xi1>, vector<32x1xf32>
    %reduce_sum3A_217 = vector.shape_cast %select_n3A_216 : vector<32x1xf32> to vector<1x32x1xf32>
    %reduce_sum3A_218 = arith.constant dense<0.000000e+00> : vector<1xf32>
    %reduce_sum3A_219 = vector.multi_reduction <add>, %reduce_sum3A_217, %reduce_sum3A_218 [1, 2] : vector<1x32x1xf32> to vector<1xf32>
    %reduce_sum3A_220 = vector.shape_cast %reduce_sum3A_219 : vector<1xf32> to vector<1x1x1xf32>
    %reduce_sum3A_221 = vector.extract %reduce_sum3A_220[0, 0, 0] : f32 from vector<1x1x1xf32>
    %mul3A_222 = arith.constant 1.280000e+02 : f32
    %mul3A_223 = arith.mulf %reduce_sum3A_221, %mul3A_222 : f32
    %add3A_224 = vector.broadcast %mul3A_223 : f32 to vector<1x512xf32>
    %add3A_225 = arith.addf %add3A_224, %dot_general3A_173 : vector<1x512xf32>
    %sub3A_226 = arith.constant 1.000000e+00 : f32
    %sub3A_227 = vector.broadcast %sub3A_226 : f32 to vector<1x512xf32>
    %sub3A_228 = arith.subf %add3A_225, %sub3A_227 : vector<1x512xf32>
    %get3A_229 = arith.constant 0 : index
    %get3A_230 = arith.constant 512 : index
    %get3A_231 = vector.load %arg5[%get3A_229, %get3A_230] : memref<2x2048xf32, #tpu.memory_space<vmem>>, vector<1x512xf32>
    %jit3A_232 = arith.constant 0.000000e+00 : f32
    %broadcast_in_dim3A_233 = vector.broadcast %jit3A_232 : f32 to vector<1x512xf32>
    %select_n3A_234 = arith.select %eq3A_159, %sub3A_228, %broadcast_in_dim3A_233 : vector<1x512xi1>, vector<1x512xf32>
    %add3A_235 = arith.addf %get3A_231, %select_n3A_234 : vector<1x512xf32>
    %swap3A_236 = arith.constant 0 : index
    %swap3A_237 = arith.constant 512 : index
    %swap3A_238 = vector.load %arg5[%swap3A_236, %swap3A_237] : memref<2x2048xf32, #tpu.memory_space<vmem>>, vector<1x512xf32>
    tpu.vector_store %arg5[%swap3A_236, %swap3A_237], %add3A_235 {strides = array<i32>} : memref<2x2048xf32, #tpu.memory_space<vmem>>, vector<1x512xf32>,
    %get3A_239 = arith.constant 1 : index
    %get3A_240 = arith.constant 512 : index
    %get3A_241 = vector.load %arg5[%get3A_239, %get3A_240] : memref<2x2048xf32, #tpu.memory_space<vmem>>, vector<1x512xf32>
    %jit3A_242 = arith.constant 0.000000e+00 : f32
    %broadcast_in_dim3A_243 = vector.broadcast %jit3A_242 : f32 to vector<1x512xf32>
    %select_n3A_244 = arith.select %eq3A_161, %sub3A_228, %broadcast_in_dim3A_243 : vector<1x512xi1>, vector<1x512xf32>
    %add3A_245 = arith.addf %get3A_241, %select_n3A_244 : vector<1x512xf32>
    %swap3A_246 = arith.constant 1 : index
    %swap3A_247 = arith.constant 512 : index
    %swap3A_248 = vector.load %arg5[%swap3A_246, %swap3A_247] : memref<2x2048xf32, #tpu.memory_space<vmem>>, vector<1x512xf32>
    tpu.vector_store %arg5[%swap3A_246, %swap3A_247], %add3A_245 {strides = array<i32>} : memref<2x2048xf32, #tpu.memory_space<vmem>>, vector<1x512xf32>,
    %get3A_249 = arith.constant 0 : index
    %get3A_250 = arith.constant 1024 : index
    %get3A_251 = vector.load %arg2[%get3A_249, %get3A_250] : memref<8x2048xf32, #tpu.memory_space<vmem>>, vector<1x512xf32>
    %get3A_252 = arith.constant 1 : index
    %get3A_253 = arith.constant 1024 : index
    %get3A_254 = vector.load %arg2[%get3A_252, %get3A_253] : memref<8x2048xf32, #tpu.memory_space<vmem>>, vector<1x512xf32>
    %get3A_255 = arith.constant 2 : index
    %get3A_256 = arith.constant 1024 : index
    %get3A_257 = vector.load %arg2[%get3A_255, %get3A_256] : memref<8x2048xf32, #tpu.memory_space<vmem>>, vector<1x512xf32>
    %get3A_258 = arith.constant 3 : index
    %get3A_259 = arith.constant 1024 : index
    %get3A_260 = vector.load %arg2[%get3A_258, %get3A_259] : memref<8x2048xf32, #tpu.memory_space<vmem>>, vector<1x512xf32>
    %eq3A_261 = vector.broadcast %convert_element_type3A : f32 to vector<1x512xf32>
    %eq3A_262 = arith.cmpf oeq, %get3A_251, %eq3A_261 : vector<1x512xf32>
    %eq3A_263 = vector.broadcast %convert_element_type3A : f32 to vector<1x512xf32>
    %eq3A_264 = arith.cmpf oeq, %get3A_254, %eq3A_263 : vector<1x512xf32>
    %or3A_265 = arith.ori %eq3A_262, %eq3A_264 : vector<1x512xi1>
    %convert_element_type3A_266 = arith.extui %or3A_265 : vector<1x512xi1> to vector<1x512xi32>
    %convert_element_type3A_267 = arith.sitofp %convert_element_type3A_266 : vector<1x512xi32> to vector<1x512xf32>
    %jit3A_268 = arith.constant 0.000000e+00 : f32
    %broadcast_in_dim3A_269 = vector.broadcast %jit3A_268 : f32 to vector<1x512xf32>
    %select_n3A_270 = arith.select %eq3A_262, %get3A_257, %broadcast_in_dim3A_269 : vector<1x512xi1>, vector<1x512xf32>
    %jit3A_271 = arith.constant 0.000000e+00 : f32
    %broadcast_in_dim3A_272 = vector.broadcast %jit3A_271 : f32 to vector<1x512xf32>
    %select_n3A_273 = arith.select %eq3A_264, %get3A_260, %broadcast_in_dim3A_272 : vector<1x512xi1>, vector<1x512xf32>
    %add3A_274 = arith.addf %select_n3A_270, %select_n3A_273 : vector<1x512xf32>
    %dot_general3A_275 = arith.constant dense<0.000000e+00> : vector<1x512xf32>
    %dot_general3A_276 = tpu.matmul %convert_element_type3A_267, %convert_element_type3A_43, %dot_general3A_275 {dimension_numbers = #tpu.dot_dimension_numbers<[1], [0], [0], [1], [0, 0, 1, 1], [], []>, transpose_lhs_hint = false} : vector<1x512xf32>, vector<512x512xf32>, vector<1x512xf32> -> vector<1x512xf32>
    %broadcast_in_dim3A_277 = vector.shape_cast %dot_general3A_276 : vector<1x512xf32> to vector<1x512xf32>
    %broadcast_in_dim3A_278 = vector.broadcast %broadcast_in_dim3A_277 : vector<1x512xf32> to vector<512x512xf32>
    %eq3A_279 = arith.cmpf oeq, %broadcast_in_dim3A_278, %convert_element_type3A_48 : vector<512x512xf32>
    %broadcast_in_dim3A_280 = vector.shape_cast %convert_element_type3A_267 : vector<1x512xf32> to vector<1x512xf32>
    %broadcast_in_dim3A_281 = vector.broadcast %broadcast_in_dim3A_280 : vector<1x512xf32> to vector<512x512xf32>
    %gt3A_282 = arith.constant 0.000000e+00 : f32
    %gt3A_283 = vector.broadcast %gt3A_282 : f32 to vector<512x512xf32>
    %gt3A_284 = arith.cmpf ogt, %broadcast_in_dim3A_281, %gt3A_283 : vector<512x512xf32>
    %and3A_285 = arith.andi %eq3A_279, %gt3A_284 : vector<512x512xi1>
    %convert_element_type3A_286 = arith.extui %and3A_285 : vector<512x512xi1> to vector<512x512xi32>
    %convert_element_type3A_287 = arith.sitofp %convert_element_type3A_286 : vector<512x512xi32> to vector<512x512xf32>
    %iota3A_288 = tpu.iota {dimensions = array<i32: 1>} : vector<1x512xi32>
    %add3A_289 = arith.constant 1024 : i32
    %add3A_290 = vector.broadcast %add3A_289 : i32 to vector<1x512xi32>
    %add3A_291 = arith.addi %add3A_290, %iota3A_288 : vector<1x512xi32>
    %convert_element_type3A_292 = arith.sitofp %add3A_291 : vector<1x512xi32> to vector<1x512xf32>
    %dot_general3A_293 = arith.constant dense<0.000000e+00> : vector<1x512xf32>
    %dot_general3A_294 = tpu.matmul %convert_element_type3A_292, %convert_element_type3A_287, %dot_general3A_293 {dimension_numbers = #tpu.dot_dimension_numbers<[1], [1], [0], [0], [0, 0, 1, 0], [], []>, transpose_lhs_hint = false} : vector<1x512xf32>, vector<512x512xf32>, vector<1x512xf32> -> vector<1x512xf32>
    %squeeze3A_295 = vector.shape_cast %dot_general3A_294 : vector<1x512xf32> to vector<512xf32>
    %swap3A_296 = arith.constant 0 : index
    %swap3A_297 = arith.constant 2 : index
    %swap3A_298 = arith.constant 0 : index
    %swap3A_299 = vector.load %arg3[%swap3A_296, %swap3A_297, %swap3A_298] : memref<1x4x512xf32, #tpu.memory_space<vmem>>, vector<1x1x512xf32>
    %swap3A_300 = vector.shape_cast %swap3A_299 : vector<1x1x512xf32> to vector<512xf32>
    %swap3A_301 = vector.shape_cast %squeeze3A_295 : vector<512xf32> to vector<1x1x512xf32>
    tpu.vector_store %arg3[%swap3A_296, %swap3A_297, %swap3A_298], %swap3A_301 {strides = array<i32>} : memref<1x4x512xf32, #tpu.memory_space<vmem>>, vector<1x1x512xf32>,
    %dot_general3A_302 = arith.constant dense<0.000000e+00> : vector<1x512xf32>
    %dot_general3A_303 = tpu.matmul %add3A_274, %convert_element_type3A_287, %dot_general3A_302 {dimension_numbers = #tpu.dot_dimension_numbers<[1], [1], [0], [0], [0, 0, 1, 0], [], []>, transpose_lhs_hint = false} : vector<1x512xf32>, vector<512x512xf32>, vector<1x512xf32> -> vector<1x512xf32>
    %squeeze3A_304 = vector.shape_cast %dot_general3A_303 : vector<1x512xf32> to vector<512xf32>
    %swap3A_305 = arith.constant 0 : index
    %swap3A_306 = arith.constant 2 : index
    %swap3A_307 = arith.constant 0 : index
    %swap3A_308 = vector.load %arg4[%swap3A_305, %swap3A_306, %swap3A_307] : memref<1x4x512xf32, #tpu.memory_space<vmem>>, vector<1x1x512xf32>
    %swap3A_309 = vector.shape_cast %swap3A_308 : vector<1x1x512xf32> to vector<512xf32>
    %swap3A_310 = vector.shape_cast %squeeze3A_304 : vector<512xf32> to vector<1x1x512xf32>
    tpu.vector_store %arg4[%swap3A_305, %swap3A_306, %swap3A_307], %swap3A_310 {strides = array<i32>} : memref<1x4x512xf32, #tpu.memory_space<vmem>>, vector<1x1x512xf32>,
    %mul3A_311 = arith.constant 4 : i32
    %mul3A_312 = arith.muli %arg0, %mul3A_311 : i32
    %add3A_313 = arith.constant 2 : i32
    %add3A_314 = arith.addi %mul3A_312, %add3A_313 : i32
    %eq3A_315 = vector.broadcast %add3A_314 : i32 to vector<32x1xi32>
    %eq3A_316 = arith.cmpi eq, %iota3A_36, %eq3A_315 : vector<32x1xi32>
    %jit3A_317 = arith.constant 0.000000e+00 : f32
    %broadcast_in_dim3A_318 = vector.broadcast %jit3A_317 : f32 to vector<32x1xf32>
    %select_n3A_319 = arith.select %eq3A_316, %dot_general3A_35, %broadcast_in_dim3A_318 : vector<32x1xi1>, vector<32x1xf32>
    %reduce_sum3A_320 = vector.shape_cast %select_n3A_319 : vector<32x1xf32> to vector<1x32x1xf32>
    %reduce_sum3A_321 = arith.constant dense<0.000000e+00> : vector<1xf32>
    %reduce_sum3A_322 = vector.multi_reduction <add>, %reduce_sum3A_320, %reduce_sum3A_321 [1, 2] : vector<1x32x1xf32> to vector<1xf32>
    %reduce_sum3A_323 = vector.shape_cast %reduce_sum3A_322 : vector<1xf32> to vector<1x1x1xf32>
    %reduce_sum3A_324 = vector.extract %reduce_sum3A_323[0, 0, 0] : f32 from vector<1x1x1xf32>
    %mul3A_325 = arith.constant 1.280000e+02 : f32
    %mul3A_326 = arith.mulf %reduce_sum3A_324, %mul3A_325 : f32
    %add3A_327 = vector.broadcast %mul3A_326 : f32 to vector<1x512xf32>
    %add3A_328 = arith.addf %add3A_327, %dot_general3A_276 : vector<1x512xf32>
    %sub3A_329 = arith.constant 1.000000e+00 : f32
    %sub3A_330 = vector.broadcast %sub3A_329 : f32 to vector<1x512xf32>
    %sub3A_331 = arith.subf %add3A_328, %sub3A_330 : vector<1x512xf32>
    %get3A_332 = arith.constant 0 : index
    %get3A_333 = arith.constant 1024 : index
    %get3A_334 = vector.load %arg5[%get3A_332, %get3A_333] : memref<2x2048xf32, #tpu.memory_space<vmem>>, vector<1x512xf32>
    %jit3A_335 = arith.constant 0.000000e+00 : f32
    %broadcast_in_dim3A_336 = vector.broadcast %jit3A_335 : f32 to vector<1x512xf32>
    %select_n3A_337 = arith.select %eq3A_262, %sub3A_331, %broadcast_in_dim3A_336 : vector<1x512xi1>, vector<1x512xf32>
    %add3A_338 = arith.addf %get3A_334, %select_n3A_337 : vector<1x512xf32>
    %swap3A_339 = arith.constant 0 : index
    %swap3A_340 = arith.constant 1024 : index
    %swap3A_341 = vector.load %arg5[%swap3A_339, %swap3A_340] : memref<2x2048xf32, #tpu.memory_space<vmem>>, vector<1x512xf32>
    tpu.vector_store %arg5[%swap3A_339, %swap3A_340], %add3A_338 {strides = array<i32>} : memref<2x2048xf32, #tpu.memory_space<vmem>>, vector<1x512xf32>,
    %get3A_342 = arith.constant 1 : index
    %get3A_343 = arith.constant 1024 : index
    %get3A_344 = vector.load %arg5[%get3A_342, %get3A_343] : memref<2x2048xf32, #tpu.memory_space<vmem>>, vector<1x512xf32>
    %jit3A_345 = arith.constant 0.000000e+00 : f32
    %broadcast_in_dim3A_346 = vector.broadcast %jit3A_345 : f32 to vector<1x512xf32>
    %select_n3A_347 = arith.select %eq3A_264, %sub3A_331, %broadcast_in_dim3A_346 : vector<1x512xi1>, vector<1x512xf32>
    %add3A_348 = arith.addf %get3A_344, %select_n3A_347 : vector<1x512xf32>
    %swap3A_349 = arith.constant 1 : index
    %swap3A_350 = arith.constant 1024 : index
    %swap3A_351 = vector.load %arg5[%swap3A_349, %swap3A_350] : memref<2x2048xf32, #tpu.memory_space<vmem>>, vector<1x512xf32>
    tpu.vector_store %arg5[%swap3A_349, %swap3A_350], %add3A_348 {strides = array<i32>} : memref<2x2048xf32, #tpu.memory_space<vmem>>, vector<1x512xf32>,
    %get3A_352 = arith.constant 0 : index
    %get3A_353 = arith.constant 1536 : index
    %get3A_354 = vector.load %arg2[%get3A_352, %get3A_353] : memref<8x2048xf32, #tpu.memory_space<vmem>>, vector<1x512xf32>
    %get3A_355 = arith.constant 1 : index
    %get3A_356 = arith.constant 1536 : index
    %get3A_357 = vector.load %arg2[%get3A_355, %get3A_356] : memref<8x2048xf32, #tpu.memory_space<vmem>>, vector<1x512xf32>
    %get3A_358 = arith.constant 2 : index
    %get3A_359 = arith.constant 1536 : index
    %get3A_360 = vector.load %arg2[%get3A_358, %get3A_359] : memref<8x2048xf32, #tpu.memory_space<vmem>>, vector<1x512xf32>
    %get3A_361 = arith.constant 3 : index
    %get3A_362 = arith.constant 1536 : index
    %get3A_363 = vector.load %arg2[%get3A_361, %get3A_362] : memref<8x2048xf32, #tpu.memory_space<vmem>>, vector<1x512xf32>
    %eq3A_364 = vector.broadcast %convert_element_type3A : f32 to vector<1x512xf32>
    %eq3A_365 = arith.cmpf oeq, %get3A_354, %eq3A_364 : vector<1x512xf32>
    %eq3A_366 = vector.broadcast %convert_element_type3A : f32 to vector<1x512xf32>
    %eq3A_367 = arith.cmpf oeq, %get3A_357, %eq3A_366 : vector<1x512xf32>
    %or3A_368 = arith.ori %eq3A_365, %eq3A_367 : vector<1x512xi1>
    %convert_element_type3A_369 = arith.extui %or3A_368 : vector<1x512xi1> to vector<1x512xi32>
    %convert_element_type3A_370 = arith.sitofp %convert_element_type3A_369 : vector<1x512xi32> to vector<1x512xf32>
    %jit3A_371 = arith.constant 0.000000e+00 : f32
    %broadcast_in_dim3A_372 = vector.broadcast %jit3A_371 : f32 to vector<1x512xf32>
    %select_n3A_373 = arith.select %eq3A_365, %get3A_360, %broadcast_in_dim3A_372 : vector<1x512xi1>, vector<1x512xf32>
    %jit3A_374 = arith.constant 0.000000e+00 : f32
    %broadcast_in_dim3A_375 = vector.broadcast %jit3A_374 : f32 to vector<1x512xf32>
    %select_n3A_376 = arith.select %eq3A_367, %get3A_363, %broadcast_in_dim3A_375 : vector<1x512xi1>, vector<1x512xf32>
    %add3A_377 = arith.addf %select_n3A_373, %select_n3A_376 : vector<1x512xf32>
    %dot_general3A_378 = arith.constant dense<0.000000e+00> : vector<1x512xf32>
    %dot_general3A_379 = tpu.matmul %convert_element_type3A_370, %convert_element_type3A_43, %dot_general3A_378 {dimension_numbers = #tpu.dot_dimension_numbers<[1], [0], [0], [1], [0, 0, 1, 1], [], []>, transpose_lhs_hint = false} : vector<1x512xf32>, vector<512x512xf32>, vector<1x512xf32> -> vector<1x512xf32>
    %broadcast_in_dim3A_380 = vector.shape_cast %dot_general3A_379 : vector<1x512xf32> to vector<1x512xf32>
    %broadcast_in_dim3A_381 = vector.broadcast %broadcast_in_dim3A_380 : vector<1x512xf32> to vector<512x512xf32>
    %eq3A_382 = arith.cmpf oeq, %broadcast_in_dim3A_381, %convert_element_type3A_48 : vector<512x512xf32>
    %broadcast_in_dim3A_383 = vector.shape_cast %convert_element_type3A_370 : vector<1x512xf32> to vector<1x512xf32>
    %broadcast_in_dim3A_384 = vector.broadcast %broadcast_in_dim3A_383 : vector<1x512xf32> to vector<512x512xf32>
    %gt3A_385 = arith.constant 0.000000e+00 : f32
    %gt3A_386 = vector.broadcast %gt3A_385 : f32 to vector<512x512xf32>
    %gt3A_387 = arith.cmpf ogt, %broadcast_in_dim3A_384, %gt3A_386 : vector<512x512xf32>
    %and3A_388 = arith.andi %eq3A_382, %gt3A_387 : vector<512x512xi1>
    %convert_element_type3A_389 = arith.extui %and3A_388 : vector<512x512xi1> to vector<512x512xi32>
    %convert_element_type3A_390 = arith.sitofp %convert_element_type3A_389 : vector<512x512xi32> to vector<512x512xf32>
    %iota3A_391 = tpu.iota {dimensions = array<i32: 1>} : vector<1x512xi32>
    %add3A_392 = arith.constant 1536 : i32
    %add3A_393 = vector.broadcast %add3A_392 : i32 to vector<1x512xi32>
    %add3A_394 = arith.addi %add3A_393, %iota3A_391 : vector<1x512xi32>
    %convert_element_type3A_395 = arith.sitofp %add3A_394 : vector<1x512xi32> to vector<1x512xf32>
    %dot_general3A_396 = arith.constant dense<0.000000e+00> : vector<1x512xf32>
    %dot_general3A_397 = tpu.matmul %convert_element_type3A_395, %convert_element_type3A_390, %dot_general3A_396 {dimension_numbers = #tpu.dot_dimension_numbers<[1], [1], [0], [0], [0, 0, 1, 0], [], []>, transpose_lhs_hint = false} : vector<1x512xf32>, vector<512x512xf32>, vector<1x512xf32> -> vector<1x512xf32>
    %squeeze3A_398 = vector.shape_cast %dot_general3A_397 : vector<1x512xf32> to vector<512xf32>
    %swap3A_399 = arith.constant 0 : index
    %swap3A_400 = arith.constant 3 : index
    %swap3A_401 = arith.constant 0 : index
    %swap3A_402 = vector.load %arg3[%swap3A_399, %swap3A_400, %swap3A_401] : memref<1x4x512xf32, #tpu.memory_space<vmem>>, vector<1x1x512xf32>
    %swap3A_403 = vector.shape_cast %swap3A_402 : vector<1x1x512xf32> to vector<512xf32>
    %swap3A_404 = vector.shape_cast %squeeze3A_398 : vector<512xf32> to vector<1x1x512xf32>
    tpu.vector_store %arg3[%swap3A_399, %swap3A_400, %swap3A_401], %swap3A_404 {strides = array<i32>} : memref<1x4x512xf32, #tpu.memory_space<vmem>>, vector<1x1x512xf32>,
    %dot_general3A_405 = arith.constant dense<0.000000e+00> : vector<1x512xf32>
    %dot_general3A_406 = tpu.matmul %add3A_377, %convert_element_type3A_390, %dot_general3A_405 {dimension_numbers = #tpu.dot_dimension_numbers<[1], [1], [0], [0], [0, 0, 1, 0], [], []>, transpose_lhs_hint = false} : vector<1x512xf32>, vector<512x512xf32>, vector<1x512xf32> -> vector<1x512xf32>
    %squeeze3A_407 = vector.shape_cast %dot_general3A_406 : vector<1x512xf32> to vector<512xf32>
    %swap3A_408 = arith.constant 0 : index
    %swap3A_409 = arith.constant 3 : index
    %swap3A_410 = arith.constant 0 : index
    %swap3A_411 = vector.load %arg4[%swap3A_408, %swap3A_409, %swap3A_410] : memref<1x4x512xf32, #tpu.memory_space<vmem>>, vector<1x1x512xf32>
    %swap3A_412 = vector.shape_cast %swap3A_411 : vector<1x1x512xf32> to vector<512xf32>
    %swap3A_413 = vector.shape_cast %squeeze3A_407 : vector<512xf32> to vector<1x1x512xf32>
    tpu.vector_store %arg4[%swap3A_408, %swap3A_409, %swap3A_410], %swap3A_413 {strides = array<i32>} : memref<1x4x512xf32, #tpu.memory_space<vmem>>, vector<1x1x512xf32>,
    %mul3A_414 = arith.constant 4 : i32
    %mul3A_415 = arith.muli %arg0, %mul3A_414 : i32
    %add3A_416 = arith.constant 3 : i32
    %add3A_417 = arith.addi %mul3A_415, %add3A_416 : i32
    %eq3A_418 = vector.broadcast %add3A_417 : i32 to vector<32x1xi32>
    %eq3A_419 = arith.cmpi eq, %iota3A_36, %eq3A_418 : vector<32x1xi32>
    %jit3A_420 = arith.constant 0.000000e+00 : f32
    %broadcast_in_dim3A_421 = vector.broadcast %jit3A_420 : f32 to vector<32x1xf32>
    %select_n3A_422 = arith.select %eq3A_419, %dot_general3A_35, %broadcast_in_dim3A_421 : vector<32x1xi1>, vector<32x1xf32>
    %reduce_sum3A_423 = vector.shape_cast %select_n3A_422 : vector<32x1xf32> to vector<1x32x1xf32>
    %reduce_sum3A_424 = arith.constant dense<0.000000e+00> : vector<1xf32>
    %reduce_sum3A_425 = vector.multi_reduction <add>, %reduce_sum3A_423, %reduce_sum3A_424 [1, 2] : vector<1x32x1xf32> to vector<1xf32>
    %reduce_sum3A_426 = vector.shape_cast %reduce_sum3A_425 : vector<1xf32> to vector<1x1x1xf32>
    %reduce_sum3A_427 = vector.extract %reduce_sum3A_426[0, 0, 0] : f32 from vector<1x1x1xf32>
    %mul3A_428 = arith.constant 1.280000e+02 : f32
    %mul3A_429 = arith.mulf %reduce_sum3A_427, %mul3A_428 : f32
    %add3A_430 = vector.broadcast %mul3A_429 : f32 to vector<1x512xf32>
    %add3A_431 = arith.addf %add3A_430, %dot_general3A_379 : vector<1x512xf32>
    %sub3A_432 = arith.constant 1.000000e+00 : f32
    %sub3A_433 = vector.broadcast %sub3A_432 : f32 to vector<1x512xf32>
    %sub3A_434 = arith.subf %add3A_431, %sub3A_433 : vector<1x512xf32>
    %get3A_435 = arith.constant 0 : index
    %get3A_436 = arith.constant 1536 : index
    %get3A_437 = vector.load %arg5[%get3A_435, %get3A_436] : memref<2x2048xf32, #tpu.memory_space<vmem>>, vector<1x512xf32>
    %jit3A_438 = arith.constant 0.000000e+00 : f32
    %broadcast_in_dim3A_439 = vector.broadcast %jit3A_438 : f32 to vector<1x512xf32>
    %select_n3A_440 = arith.select %eq3A_365, %sub3A_434, %broadcast_in_dim3A_439 : vector<1x512xi1>, vector<1x512xf32>
    %add3A_441 = arith.addf %get3A_437, %select_n3A_440 : vector<1x512xf32>
    %swap3A_442 = arith.constant 0 : index
    %swap3A_443 = arith.constant 1536 : index
    %swap3A_444 = vector.load %arg5[%swap3A_442, %swap3A_443] : memref<2x2048xf32, #tpu.memory_space<vmem>>, vector<1x512xf32>
    tpu.vector_store %arg5[%swap3A_442, %swap3A_443], %add3A_441 {strides = array<i32>} : memref<2x2048xf32, #tpu.memory_space<vmem>>, vector<1x512xf32>,
    %get3A_445 = arith.constant 1 : index
    %get3A_446 = arith.constant 1536 : index
    %get3A_447 = vector.load %arg5[%get3A_445, %get3A_446] : memref<2x2048xf32, #tpu.memory_space<vmem>>, vector<1x512xf32>
    %jit3A_448 = arith.constant 0.000000e+00 : f32
    %broadcast_in_dim3A_449 = vector.broadcast %jit3A_448 : f32 to vector<1x512xf32>
    %select_n3A_450 = arith.select %eq3A_367, %sub3A_434, %broadcast_in_dim3A_449 : vector<1x512xi1>, vector<1x512xf32>
    %add3A_451 = arith.addf %get3A_447, %select_n3A_450 : vector<1x512xf32>
    %swap3A_452 = arith.constant 1 : index
    %swap3A_453 = arith.constant 1536 : index
    %swap3A_454 = vector.load %arg5[%swap3A_452, %swap3A_453] : memref<2x2048xf32, #tpu.memory_space<vmem>>, vector<1x512xf32>
    tpu.vector_store %arg5[%swap3A_452, %swap3A_453], %add3A_451 {strides = array<i32>} : memref<2x2048xf32, #tpu.memory_space<vmem>>, vector<1x512xf32>,
    return
  }
  func.func @transform_0(%arg0: i32) -> (i32, i32) {
    %c0_i32 = arith.constant 0 : i32
    %c0_i32_0 = arith.constant 0 : i32
    %c0_i32_1 = arith.constant 0 : i32
    return %c0_i32, %c0_i32_0 : i32, i32
  }
  func.func @transform_1(%arg0: i32) -> (i32, i32) {
    %c0_i32 = arith.constant 0 : i32
    %c0_i32_0 = arith.constant 0 : i32
    %c0_i32_1 = arith.constant 0 : i32
    return %c0_i32, %c0_i32_0 : i32, i32
  }
  func.func @transform_2(%arg0: i32) -> (i32, i32, i32) {
    %c0_i32 = arith.constant 0 : i32
    %c0_i32_0 = arith.constant 0 : i32
    %c0_i32_1 = arith.constant 0 : i32
    return %arg0, %c0_i32, %c0_i32_0 : i32, i32, i32
  }
  func.func @transform_3(%arg0: i32) -> (i32, i32, i32) {
    %c0_i32 = arith.constant 0 : i32
    %c0_i32_0 = arith.constant 0 : i32
    %c0_i32_1 = arith.constant 0 : i32
    return %arg0, %c0_i32, %c0_i32_0 : i32, i32, i32
  }
  func.func @transform_4(%arg0: i32) -> (i32, i32) {
    %c0_i32 = arith.constant 0 : i32
    %c0_i32_0 = arith.constant 0 : i32
    %c0_i32_1 = arith.constant 0 : i32
    return %c0_i32, %c0_i32_0 : i32, i32
  }
}

module attributes {stable_mosaic.version = 14 : i64} {
  func.func @_ffn_body(%arg0: i32, %arg1: memref<1x64xi32, #tpu.memory_space<smem>>, %arg2: memref<1x64xi32, #tpu.memory_space<smem>>, %arg3: memref<128x1024xf32, #tpu.memory_space<vmem>>, %arg4: memref<1x1024x1024xf32, #tpu.memory_space<vmem>>, %arg5: memref<1x1024x512xf32, #tpu.memory_space<vmem>>, %arg6: memref<1x1x128xf32, #tpu.memory_space<vmem>>, %arg7: memref<128x1024xf32, #tpu.memory_space<vmem>>) attributes {dimension_semantics = [#tpu.dimension_semantics<arbitrary>], iteration_bounds = array<i64: 64>, scalar_prefetch = 2 : i64, scratch_operands = 0 : i64, tpu.core_type = #tpu.core_type<tc>, window_params = [{transform_indices = @transform_0, window_bounds = array<i64: 128, 1024>}, {transform_indices = @transform_1, window_bounds = array<i64: 1, 1024, 1024>}, {transform_indices = @transform_2, window_bounds = array<i64: 1, 1024, 512>}, {transform_indices = @transform_3, window_bounds = array<i64: 1, 1, 128>}, {transform_indices = @transform_4, window_bounds = array<i64: 128, 1024>}]} {
    %get3A = arith.constant 0 : index
    %get3A_0 = arith.index_cast %arg0 : i32 to index
    %get3A_1 = memref.load %arg1[%get3A, %get3A_0] : memref<1x64xi32, #tpu.memory_space<smem>>
    %gt3A = arith.constant 0 : i32
    %gt3A_2 = arith.cmpi sgt, %get3A_1, %gt3A : i32
    %convert_element_type3A = arith.extui %gt3A_2 : i1 to i32
    %cond3A = arith.constant 0 : i32
    %cond3A_3 = arith.cmpi ne, %convert_element_type3A, %cond3A : i32
    scf.if %cond3A_3 {
      %get3A_11 = arith.constant 0 : index
      %get3A_12 = arith.constant 0 : index
      %get3A_13 = vector.load %arg3[%get3A_11, %get3A_12] : memref<128x1024xf32, #tpu.memory_space<vmem>>, vector<128x1024xf32>
      %get3A_14 = arith.constant 0 : index
      %get3A_15 = arith.constant 0 : index
      %get3A_16 = arith.constant 0 : index
      %get3A_17 = vector.load %arg4[%get3A_14, %get3A_15, %get3A_16] : memref<1x1024x1024xf32, #tpu.memory_space<vmem>>, vector<1x1024x1024xf32>
      %get3A_18 = vector.shape_cast %get3A_17 : vector<1x1024x1024xf32> to vector<1024x1024xf32>
      %dot_general3A = arith.constant dense<0.000000e+00> : vector<128x1024xf32>
      %dot_general3A_19 = tpu.matmul %get3A_13, %get3A_18, %dot_general3A {dimension_numbers = #tpu.dot_dimension_numbers<[1], [1], [0], [0], [0, 0, 1, 0], [], []>, transpose_lhs_hint = false} : vector<128x1024xf32>, vector<1024x1024xf32>, vector<128x1024xf32> -> vector<128x1024xf32>
      %slice3A = vector.extract_strided_slice %dot_general3A_19 {offsets = [0, 0], sizes = [128, 512], strides = [1, 1]} : vector<128x1024xf32> to vector<128x512xf32>
      %slice3A_20 = vector.extract_strided_slice %dot_general3A_19 {offsets = [0, 512], sizes = [128, 512], strides = [1, 1]} : vector<128x1024xf32> to vector<128x512xf32>
      %neg3A = arith.constant 0.000000e+00 : f32
      %neg3A_21 = vector.broadcast %neg3A : f32 to vector<128x512xf32>
      %neg3A_22 = arith.subf %neg3A_21, %slice3A : vector<128x512xf32>
      %exp3A = math.exp %neg3A_22 : vector<128x512xf32>
      %add3A = arith.constant 1.000000e+00 : f32
      %add3A_23 = vector.broadcast %add3A : f32 to vector<128x512xf32>
      %add3A_24 = arith.addf %add3A_23, %exp3A : vector<128x512xf32>
      %div3A = arith.divf %slice3A, %add3A_24 : vector<128x512xf32>
      %mul3A = arith.mulf %div3A, %slice3A_20 : vector<128x512xf32>
      %get3A_25 = arith.constant 0 : index
      %get3A_26 = arith.constant 0 : index
      %get3A_27 = arith.constant 0 : index
      %get3A_28 = vector.load %arg5[%get3A_25, %get3A_26, %get3A_27] : memref<1x1024x512xf32, #tpu.memory_space<vmem>>, vector<1x1024x512xf32>
      %get3A_29 = vector.shape_cast %get3A_28 : vector<1x1024x512xf32> to vector<1024x512xf32>
      %dot_general3A_30 = arith.constant dense<0.000000e+00> : vector<128x1024xf32>
      %dot_general3A_31 = tpu.matmul %mul3A, %get3A_29, %dot_general3A_30 {dimension_numbers = #tpu.dot_dimension_numbers<[1], [1], [0], [0], [0, 0, 1, 0], [], []>, transpose_lhs_hint = false} : vector<128x512xf32>, vector<1024x512xf32>, vector<128x1024xf32> -> vector<128x1024xf32>
      %get3A_32 = arith.constant 0 : index
      %get3A_33 = arith.constant 0 : index
      %get3A_34 = arith.constant 0 : index
      %get3A_35 = vector.load %arg6[%get3A_32, %get3A_33, %get3A_34] : memref<1x1x128xf32, #tpu.memory_space<vmem>>, vector<1x1x128xf32>
      %get3A_36 = vector.shape_cast %get3A_35 : vector<1x1x128xf32> to vector<1x128xf32>
      %broadcast_in_dim3A = vector.shape_cast %get3A_36 : vector<1x128xf32> to vector<1x128xf32>
      %broadcast_in_dim3A_37 = vector.broadcast %broadcast_in_dim3A : vector<1x128xf32> to vector<128x128xf32>
      %iota3A = tpu.iota {dimensions = array<i32: 0>} : vector<128x128xi32>
      %iota3A_38 = tpu.iota {dimensions = array<i32: 1>} : vector<128x128xi32>
      %eq3A_39 = arith.cmpi eq, %iota3A, %iota3A_38 : vector<128x128xi32>
      %jit3A = arith.constant 0.000000e+00 : f32
      %broadcast_in_dim3A_40 = vector.broadcast %jit3A : f32 to vector<128x128xf32>
      %select_n3A = arith.select %eq3A_39, %broadcast_in_dim3A_37, %broadcast_in_dim3A_40 : vector<128x128xi1>, vector<128x128xf32>
      %dot_general3A_41 = arith.constant dense<0.000000e+00> : vector<128x1024xf32>
      %dot_general3A_42 = tpu.matmul %select_n3A, %dot_general3A_31, %dot_general3A_41 {dimension_numbers = #tpu.dot_dimension_numbers<[1], [0], [0], [1], [0, 0, 1, 1], [], []>, transpose_lhs_hint = false} : vector<128x128xf32>, vector<128x1024xf32>, vector<128x1024xf32> -> vector<128x1024xf32>
      %swap3A = arith.constant 0 : index
      %swap3A_43 = arith.constant 0 : index
      %swap3A_44 = vector.load %arg7[%swap3A, %swap3A_43] : memref<128x1024xf32, #tpu.memory_space<vmem>>, vector<128x1024xf32>
      tpu.vector_store %arg7[%swap3A, %swap3A_43], %dot_general3A_42 {strides = array<i32>} : memref<128x1024xf32, #tpu.memory_space<vmem>>, vector<128x1024xf32>,
    } else {
    }
    %get3A_4 = arith.constant 0 : index
    %get3A_5 = arith.index_cast %arg0 : i32 to index
    %get3A_6 = memref.load %arg1[%get3A_4, %get3A_5] : memref<1x64xi32, #tpu.memory_space<smem>>
    %eq3A = arith.constant 0 : i32
    %eq3A_7 = arith.cmpi eq, %get3A_6, %eq3A : i32
    %convert_element_type3A_8 = arith.extui %eq3A_7 : i1 to i32
    %cond3A_9 = arith.constant 0 : i32
    %cond3A_10 = arith.cmpi ne, %convert_element_type3A_8, %cond3A_9 : i32
    scf.if %cond3A_10 {
      %broadcast_in_dim3A = arith.constant 0.000000e+00 : f32
      %broadcast_in_dim3A_11 = vector.broadcast %broadcast_in_dim3A : f32 to vector<128x1024xf32>
      %swap3A = arith.constant 0 : index
      %swap3A_12 = arith.constant 0 : index
      %swap3A_13 = vector.load %arg7[%swap3A, %swap3A_12] : memref<128x1024xf32, #tpu.memory_space<vmem>>, vector<128x1024xf32>
      tpu.vector_store %arg7[%swap3A, %swap3A_12], %broadcast_in_dim3A_11 {strides = array<i32>} : memref<128x1024xf32, #tpu.memory_space<vmem>>, vector<128x1024xf32>,
    } else {
    }
    return
  }
  func.func @transform_0(%arg0: i32, %arg1: memref<1x64xi32, #tpu.memory_space<smem>>, %arg2: memref<1x64xi32, #tpu.memory_space<smem>>) -> (i32, i32) {
    %c0_i32 = arith.constant 0 : i32
    %c0_i32_0 = arith.constant 0 : i32
    return %arg0, %c0_i32 : i32, i32
  }
  func.func @transform_1(%arg0: i32, %arg1: memref<1x64xi32, #tpu.memory_space<smem>>, %arg2: memref<1x64xi32, #tpu.memory_space<smem>>) -> (i32, i32, i32) {
    %get3A = arith.constant 0 : index
    %get3A_0 = arith.index_cast %arg0 : i32 to index
    %get3A_1 = memref.load %arg2[%get3A, %get3A_0] : memref<1x64xi32, #tpu.memory_space<smem>>
    %c0_i32 = arith.constant 0 : i32
    %c0_i32_2 = arith.constant 0 : i32
    %c0_i32_3 = arith.constant 0 : i32
    return %get3A_1, %c0_i32, %c0_i32_2 : i32, i32, i32
  }
  func.func @transform_2(%arg0: i32, %arg1: memref<1x64xi32, #tpu.memory_space<smem>>, %arg2: memref<1x64xi32, #tpu.memory_space<smem>>) -> (i32, i32, i32) {
    %get3A = arith.constant 0 : index
    %get3A_0 = arith.index_cast %arg0 : i32 to index
    %get3A_1 = memref.load %arg2[%get3A, %get3A_0] : memref<1x64xi32, #tpu.memory_space<smem>>
    %c0_i32 = arith.constant 0 : i32
    %c0_i32_2 = arith.constant 0 : i32
    %c0_i32_3 = arith.constant 0 : i32
    return %get3A_1, %c0_i32, %c0_i32_2 : i32, i32, i32
  }
  func.func @transform_3(%arg0: i32, %arg1: memref<1x64xi32, #tpu.memory_space<smem>>, %arg2: memref<1x64xi32, #tpu.memory_space<smem>>) -> (i32, i32, i32) {
    %c0_i32 = arith.constant 0 : i32
    %c0_i32_0 = arith.constant 0 : i32
    %c0_i32_1 = arith.constant 0 : i32
    return %arg0, %c0_i32, %c0_i32_0 : i32, i32, i32
  }
  func.func @transform_4(%arg0: i32, %arg1: memref<1x64xi32, #tpu.memory_space<smem>>, %arg2: memref<1x64xi32, #tpu.memory_space<smem>>) -> (i32, i32) {
    %c0_i32 = arith.constant 0 : i32
    %c0_i32_0 = arith.constant 0 : i32
    return %arg0, %c0_i32 : i32, i32
  }
}

</mosaic_0001>

<sc_bundles>
// kernel: kernel.7.cloned.1.call-start
scs
__scs_entry_jumppad:
0x0: {  	(pc) =	sbr.rel $0x88, $3  }
0x1: {  	(tag) =	ssettag $0x0;
	lr =	simm.s32 $0x1  }
0x2: {  	[smem:$0x3F9D] =	sst lr;
	_ =	strace $0xD0000000  }
0x3: {  	_ = 	snop  }
0x4: {  	_ = 	snop  }
0x5: {  	_ = 	snop  }
0x6: {  	_ = 	snop  }
0x7: {  	_ = 	snop  }
__scs_overlays_trampoline_lowered:
0x8: {  	[smem:$0x3FAC] =	sst s0  }
0x9: {  	[smem:$0x3FAD] =	sst s1  }
0xa: {  	[smem:$0x3FAE] =	sst s2  }
0xb: {  	[smem:$0x3FAF] =	sst s3  }
0xc: {  	[smem:$0x3FB0] =	sst s4  }
0xd: {  	[smem:$0x3FB1] =	sst s5  }
0xe: {  	[smem:$0x3FB2] =	sst s6  }
0xf: {  	[smem:$0x3FB3] =	sst s7  }
0x10: {  	[smem:$0x3FB4] =	sst s8  }
0x11: {  	[smem:$0x3FB5] =	sst s9;
	s0 =	simm.s32 @!p0 $0x0  }
0x12: {  	s1 =	sld [smem:$0x3F9B];
	s0 =	simm.s32 @p0 $0x1  }
0x13: {  	[smem:$0x3FB6] =	sst s0;
	s0 =	simm.s32 @!p1 $0x0  }
0x14: {  	s2 =	sld [smem:$0x3F9A];
	s0 =	simm.s32 @p1 $0x1  }
0x15: {  	[smem:$0x3FB7] =	sst s0;
	s0 =	simm.s32 @!p2 $0x0  }
0x16: {  	s3 =	sld [smem:$0x3FDB];
	s0 =	simm.s32 @p2 $0x1  }
0x17: {  	s4 =	simm.s32 $0x1BF5;
	[smem:$0x3FB9] =	sst s0  }
0x18: {  	s0 =	sld [smem:$0x3F9C];
	_ =	swait.ge [sflag:s4], $0x0  }
0x19: {  	s7 =	sld [smem:$0x3F9D]  }
0x1a: {  	s8 =	sadd.s32 $0xFFFFE003, lr  }
0x1b: {  	s9 =	sadd.s32 $0xFFFFFEF7, lr;
	s5 =	simm.s32 $0xFFFFFFFF;
	p2 =	slt.u32 s8, $0xFFFFF086  }
0x1c: {  	p1 =	slt.u32 s9, $0xF7A;
	s5 =	simm.s32 @!p2 $0x0  }
0x1d: {  	s5 =	simm.s32 @p1 $0x1;
	p0 =	seq.s32 s7, s2  }
0x1e: {  	s7 =	smul.u32 @!p0 $0xF7A, s2;
	p2 =	seq.s32 @!p0 s5, $0x0  }
0x1f: {  	s9 =	smul.u32 $0xF7A, s1;
	s8 =	simm.s32 @!p0 $0x1BF5;
	p2 =	por !p2, p0  }
0x20: {  	[sflag:s8] =	ssyncset.s32 @!p0 $0xFFFFF086;
	s6 =	sadd.s32 @!p0 s3, s7;
	s7 =	simm.s32 @!p0 $0x108  }
0x21: {  	s3 =	sadd.s32 s3, s9;
	s6 =	sadd.s32 @!p0 $0x88, s6;
	s7 =	simm.s32 @p2 $0x1082  }
0x22: {  	[simem:s7], [sflag:s8] =	dma.local @!p0 [hbm:s6], $0xF7A  }
0x23: {  	s9 =	sor.u32 $0xD0000000, s2;
	s6 =	simm.s32 $0x108;
	_ =	swait.ge @!p0 [sflag:s8], $0x0  }
0x24: {  	s3 =	sadd.s32 $0x88, s3;
	s6 =	simm.s32 @!p1 $0x1082;
	[sflag:s4] =	ssyncset.s32 $0xFFFFF086  }
0x25: {  	[simem:s6], [sflag:s4] =	dma.local [hbm:s3], $0xF7A  }
0x26: {  	[smem:$0x3F9D] =	sst s1;
	(tag) =	ssettag s2;
	_ =	strace s9  }
0x27: {  	s1 =	sld [smem:$0x3FAD]  }
0x28: {  	s2 =	sld [smem:$0x3FAE]  }
0x29: {  	s4 =	sld [smem:$0x3FB0]  }
0x2a: {  	p0 =	seq.s32 s5, $0x0;
	s5 =	sld [smem:$0x3FB1]  }
0x2b: {  	s6 =	sld [smem:$0x3FB2]  }
0x2c: {  	s7 =	sld [smem:$0x3FB3]  }
0x2d: {  	s3 =	simm.s32 $0x108;
	s8 =	sld [smem:$0x3FB4]  }
0x2e: {  	s3 =	simm.s32 @!p0 $0x1082;
	s9 =	sld [smem:$0x3FB5]  }
0x2f: {  	lr =	sadd.s32 s0, s3;
	s0 =	sld [smem:$0x3FAC]  }
0x30: {  	s3 =	sld [smem:$0x3FAF]  }
0x31: {  	[smem:$0x3FB8] =	sst s10  }
0x32: {  	s10 =	sld [smem:$0x3FB6];
	_ =	sdelay $0x3  }
0x33: {  	p0 =	seq.s32 s10, $0x1;
	s10 =	sld [smem:$0x3FB8];
	_ =	sdelay $0x3  }
0x34: {  	[smem:$0x3FB8] =	sst s10  }
0x35: {  	s10 =	sld [smem:$0x3FB7];
	_ =	sdelay $0x3  }
0x36: {  	p1 =	seq.s32 s10, $0x1;
	s10 =	sld [smem:$0x3FB8];
	_ =	sdelay $0x3  }
0x37: {  	[smem:$0x3FB8] =	sst s10  }
0x38: {  	s10 =	sld [smem:$0x3FB9]  }
0x39: {  	_ = 	snop;
	(pc) =	sbr.ind lr, $3  }
0x3a: {  	_ = 	snop  }
0x3b: {  	_ = 	snop  }
0x3c: {  	p2 =	seq.s32 s10, $0x1;
	s10 =	sld [smem:$0x3FB8]  }
0x3d: {  	_ =	shalt  }
0x3e: {  	_ =	shalt  }
0x3f: {  	_ =	shalt  }
0x40: {  	_ =	shalt  }
0x41: {  	_ =	shalt  }
0x42: {  	_ =	shalt  }
0x43: {  	_ =	shalt  }
0x44: {  	_ =	shalt  }
0x45: {  	_ =	shalt  }
0x46: {  	_ =	shalt  }
0x47: {  	_ =	shalt  }
0x48: {  	_ =	shalt  }
0x49: {  	_ =	shalt  }
0x4a: {  	_ =	shalt  }
0x4b: {  	_ =	shalt  }
0x4c: {  	_ =	shalt  }
0x4d: {  	_ =	shalt  }
0x4e: {  	_ =	shalt  }
0x4f: {  	_ =	shalt  }
0x50: {  	_ =	shalt  }
0x51: {  	_ =	shalt  }
0x52: {  	_ =	shalt  }
0x53: {  	_ =	shalt  }
0x54: {  	_ =	shalt  }
0x55: {  	_ =	shalt  }
0x56: {  	_ =	shalt  }
0x57: {  	_ =	shalt  }
0x58: {  	_ =	shalt  }
0x59: {  	_ =	shalt  }
0x5a: {  	_ =	shalt  }
0x5b: {  	_ =	shalt  }
0x5c: {  	_ =	shalt  }
0x5d: {  	_ =	shalt  }
0x5e: {  	_ =	shalt  }
0x5f: {  	_ =	shalt  }
0x60: {  	_ =	shalt  }
0x61: {  	_ =	shalt  }
0x62: {  	_ =	shalt  }
0x63: {  	_ =	shalt  }
0x64: {  	_ =	shalt  }
0x65: {  	_ =	shalt  }
0x66: {  	_ =	shalt  }
0x67: {  	_ =	shalt  }
0x68: {  	_ =	shalt  }
0x69: {  	_ =	shalt  }
0x6a: {  	_ =	shalt  }
0x6b: {  	_ =	shalt  }
0x6c: {  	_ =	shalt  }
0x6d: {  	_ =	shalt  }
0x6e: {  	_ =	shalt  }
0x6f: {  	_ =	shalt  }
0x70: {  	_ =	shalt  }
0x71: {  	_ =	shalt  }
0x72: {  	_ =	shalt  }
0x73: {  	_ =	shalt  }
0x74: {  	_ =	shalt  }
0x75: {  	_ =	shalt  }
0x76: {  	_ =	shalt  }
0x77: {  	_ =	shalt  }
0x78: {  	_ =	shalt  }
0x79: {  	_ =	shalt  }
0x7a: {  	_ =	shalt  }
0x7b: {  	_ =	shalt  }
0x7c: {  	_ =	shalt  }
0x7d: {  	_ =	shalt  }
0x7e: {  	_ =	shalt  }
0x7f: {  	_ =	shalt  }
0x80: {  	_ =	shalt  }
0x81: {  	_ =	shalt  }
0x82: {  	_ =	shalt  }
0x83: {  	_ =	shalt  }
0x84: {  	_ =	shalt  }
0x85: {  	_ =	shalt  }
0x86: {  	_ =	shalt  }
0x87: {  	_ =	shalt  }
.Lfunc_end0:
.L_simem_size_0:
called_computation_lowered:
.L_overlay_start_0:
0x88: {  	s2 =	sld [smem:$0x3FD9]  }
0x89: {  	s3 =	sld [smem:$0x3FFE];
	_ =	sdelay $0x1  }
0x8a: {  	s1 =	srdreg.scid  }
0x8b: {  	s0 =	sand.u32 $0x1, s1  }
0x8c: {  	s14 =	sshll.u32 s0, $0xA;
	s2 =	sadd.s32 s3, s2  }
0x8d: {  	s2 =	sadd.s32 s2, s14  }
0x8e: {  	[smem:$0x3FC4] =	sst s2  }
0x8f: {  	_ = 	snop  }
0x90: {  	s2 =	sld [smem:$0x3FD0];
	_ =	sdelay $0x2  }
0x91: {  	s4 =	simm.s32 $0xA;
	s5 =	simm.s32 $0x10;
	s15 =	sld [smem:$0x3FC9]  }
0x92: {  	[smem:s5], [sflag:s4] =	dma.local [hbm:s2], $0x1  }
0x93: {  	_ =	swait.eq [sflag:s4], $0x1  }
0x94: {  	[sflag:s4] =	ssyncset.done $0x0  }
0x95: {  	[sflag:s4] =	ssyncadd.s32 $0xFFFFFFFF  }
0x96: {  	s16 =	sld [smem:$0x10];
	(tm) =	ssettm $0x1  }
0x97: {  	s17 =	sld [smem:$0x3FFB];
	_ =	sdelay $0x3  }
0x98: {  	_ =	strace s17  }
0x99: {  	s4 =	sld [smem:$0x3FFC];
	_ =	sdelay $0x3  }
0x9a: {  	_ =	strace s4  }
0x9b: {  	s4 =	sld [smem:$0x3FFD];
	_ =	sdelay $0x3  }
0x9c: {  	_ =	strace s4  }
0x9d: {  	_ =	strace $0x8FFFFFFF  }
0x9e: {  	s18 =	sld [smem:$0x3FDB];
	_ =	sdelay $0x1  }
0x9f: {  	s19 =	simm.s32 $_scs_section_size  }
0xa0: {  	s6 =	simm.s32 $_size__tile_overlayer_lowered;
	s7 =	simm.s32 $_tile_overlayer_lowered  }
0xa1: {  	s22 =	simm.s32 $0x1BFF;
	s21 =	sshll.u32 s7, $0x1;
	s4 =	sadd.s32 s19, s18  }
0xa2: {  	s8 =	simm.s32 $0x0;
	s20 =	sshll.u32 s6, $0x1;
	s6 =	sadd.s32 s21, s4  }
0xa3: {  	[timem:s8], [sflag:s22] =	dma.local [hbm:s6], s20  }
0xa4: {  	_ =	swait.ge [sflag:s22], s20  }
0xa5: {  	s5 =	ssub.s32 $0x0, s20;
	[sflag:s22] =	ssyncset.done $0x0  }
0xa6: {  	[sflag:s22] =	ssyncadd.s32 s5;
	_ =	sdelay $0x1  }
0xa7: {  	s23 =	simm.s32 $0x1B8B  }
0xa8: {  	_ =	swait.ge [sflag:s23], $0x1  }
0xa9: {  	[sflag:s23] =	ssyncset.done $0x0  }
0xaa: {  	s25 =	simm.s32 $0x1B8E;
	s24 =	sld [smem:$0x3FFE];
	[sflag:s23] =	ssyncadd.s32 $0xFFFFFFFF  }
0xab: {  	s26 =	simm.s32 $execute0_lowered;
	[smem:$0x3FD2] =	sst s25  }
0xac: {  	s6 =	sshll.u32 s26, $0x1;
	_ =	strace $0x80000046;
	[dreg:$0x1] =	wrdreg $0xFFFFFFFF  }
0xad: {  	s28 =	simm.s32 $_size_execute0_lowered;
	s4 =	sadd.s32 s4, s6;
	[dreg:$0x0] =	wrdreg $0x0  }
0xae: {  	s6 =	sshll.u32 s28, $0x1;
	[dreg:$0x2] =	wrdreg s4  }
0xaf: {  	[dreg:$0x3] =	wrdreg s6  }
0xb0: {  	[dreg:$0x4] =	wrdreg $0xC0  }
0xb1: {  	_ =	task [dreg:s8], $0x5FFFF  }
0xb2: {  	[dreg:$0x1] =	wrdreg $0xFFFFFFFF  }
0xb3: {  	[dreg:$0x0] =	wrdreg $0x60  }
0xb4: {  	[dreg:$0x2] =	wrdreg s15  }
0xb5: {  	[dreg:$0x3] =	wrdreg s16  }
0xb6: {  	[dreg:$0x4] =	wrdreg s24  }
0xb7: {  	[dreg:$0x5] =	wrdreg $0x9  }
0xb8: {  	_ =	task.clear_ibuf [dreg:s8], $0x6FFFF;
	_ =	strace $0x90000046  }
0xb9: {  	s29 =	simm.s32 $0x9;
	_ =	strace $0x80000048  }
0xba: {  	_ =	swait.ge [sflag:s29], $0x1  }
0xbb: {  	[sflag:s29] =	ssyncadd.s32 $0xFFFFFFFF  }
0xbc: {  	_ =	strace $0x90000048  }
0xbd: {  	_ =	sfence  }
0xbe: {  	s30 =	sld [smem:$0x0];
	_ =	sdelay $0x2  }
0xbf: {  	s31 =	sshll.u32 s1, $0xD;
	s1 =	sshrl.u32 s1, $0x2  }
0xc0: {  	s3 =	sand.u32 $0x4000, s31;
	s1 =	sadd.s32 s1, s30  }
0xc1: {  	s0 =	sor.u32 s3, s0;
	s1 =	sshll.u32 s1, $0x11  }
0xc2: {  	s0 =	sor.u32 s1, s0  }
0xc3: {  	s0 =	sadd.s32 $0x8F2B, s0  }
0xc4: {  	[sflag:s0] =	ssyncadd.remote.s32 $0x1  }
0xc5: {  	_ =	sfence.sel $0xFFFF  }
0xc6: {  	[dreg:$0x0] =	wrdreg $0xFFFFFFFF;
	(pc) =	sbr.abs _section_cstart, $3  }
0xc7: {  	[dreg:$0x1] =	wrdreg $0xFFFFFFFF  }
0xc8: {  	_ =	task.clear_ibuf [dreg:s8], $0x2FFFF;
	_ =	strace $0x9FFFFFFF  }
0xc9: {  	(tm) =	ssettm $0x7FFFFFFF  }
tec
execute0_lowered:
.L_overlay_start_1:
0x0: {  	(tag) =	ssettag $0x1  }
0x1: {  	s1 =	rddreg [dreg:$0x0]  }
0x2: {  	s0 =	rddreg [dreg:$0x1]  }
0x3: {  	s2 =	rddreg [dreg:$0x2];
	s3 =	simm.s32 $0x0;
	s4 =	srdreg.scid  }
0x4: {  	s5 =	stileid.u32;
	s18 =	simm.s32 $0x1;
	[smem:$0x7FF] =	sst s3  }
0x5: {  	s4 =	sand.u32 $0x1, s4;
	s5 =	sshll.u32 s5, $0x1;
	s2 =	sadd.s32 $0x1E00, s2  }
0x6: {  	_ =	strace $0x80000047;
	s6 =	ssub.s32 $0x2, s4;
	s4 =	sor.u32 s4, s5  }
0x7: {  	s19 =	sshrl.u32 s6, $0x1;
	s7 =	sshll.u32 s4, $0x5;
	s21 =	sshll.u32 s4, $0x8  }
0x8: {  	s22 =	sshll.u32 s4, $0xF;
	s4 =	sadd.s32 $0x100, s1;
	s8 =	ssub.s32 s6, s19  }
0x9: {  	s20 =	sadd.s32 s0, s7;
	s23 =	sor.u32 $0x40, s21;
	s5 =	sadd.s32 s2, s22  }
0xa: {  	s25 =	sor.u32 $0x80, s21;
	s6 =	sor.u32 $0xC0, s21;
	[dreg:$0x4] =	wrdreg s20  }
0xb: {  	s9 =	sshrl.u32 s23, $0x3;
	[dreg:$0x5] =	wrdreg s5;
	s7 =	sshll.u32 s23, $0x7  }
0xc: {  	s5 =	sadd.s32 $0x200, s1;
	s26 =	sshrl.u32 s25, $0x3;
	s24 =	sadd.s32 s0, s9  }
0xd: {  	s30 =	sshll.u32 s6, $0x7;
	s7 =	sadd.s32 s2, s7;
	[dreg:$0x6] =	wrdreg s24  }
0xe: {  	s29 =	sshrl.u32 s6, $0x3;
	s31 =	sadd.s32 s2, s30;
	[dreg:$0x7] =	wrdreg s7  }
0xf: {  	s9 =	sshll.u32 s25, $0x7;
	s7 =	sadd.s32 s0, s26;
	[dreg:$0xb] =	wrdreg s31  }
0x10: {  	v2 =	vlaneseq.u32;
	s6 =	sadd.s32 $0x300, s1;
	s28 =	sadd.s32 s2, s9;
	[dreg:$0x8] =	wrdreg s7  }
0x11: {  	vm0 =	vmmov $0xffff;
	v1 =	vshrl.u32 v2, $0x3;
	s23 =	simm.s32 $0x80;
	s0 =	sadd.s32 s0, s29;
	[dreg:$0x9] =	wrdreg s28  }
0x12: {  	v0 =	vand.u32 $0x7, v2;
	v2 =	vor.u32 $0x8, v2;
	v1 =	vmul.u32 $0x8, v1;
	[dreg:$0xa] =	wrdreg s0;
	s7 =	smax.u32 s8, $0x1;
	s8 =	simm.s32 $0x2  }
.LBB2_1:
0x13: {  	s19 =	rddreg [dreg:$0x4]  }
0x14: {  	[tilespmem:s3], [sflag:$0x2] =	stream.linear.gather [hbm4b:s19+s3], $0x40, $0x38;
	[tilespmem:$0x10080] =	vst v63  }
0x15: {  	_ =	swait.ge [sflag:s8], $0x40  }
0x16: {  	[sflag:s8] =	ssyncset.done $0x0  }
0x17: {  	[sflag:s8] =	ssyncadd.s32 $0xFFFFFFC0  }
0x18: {  	v3 =	vld [tilespmem:$0x0];
	_ =	sdelay $0x4  }
0x19: {  	v4 =	vshll.u32 v3, $0x3  }
0x1a: {  	v3 =	vand.u32 $0x7, v3;
	v4 =	vand.u32 $0xFFFFFFC0, v4  }
0x1b: {  	v3 =	vor.u32 v3, v4  }
0x1c: {  	v4 =	vperm.xlane v3, v0;
	_ =	sdelay $0x1  }
0x1d: {  	v4 =	vadd.s32 v1, v4;
	_ =	sdelay $0x4  }
0x1e: {  	[tilespmem:s23], [sflag:$0x1] =	stream.indirect_vreg.gather [hbm4b:s1+s3], $0x80, v4, vm0, $0xb8;
	[tilespmem:$0x10080] =	vst v63  }
0x1f: {  	s0 =	simm.s32 $0x880;
	v3 =	vperm.xlane v3, v2  }
0x20: {  	[tilespmem:s0], [sflag:$0x1] =	stream.indirect_vreg.gather [hbm4b:s4+s3], $0x80, v4, vm0, $0xb8;
	[tilespmem:$0x10080] =	vst v63  }
0x21: {  	s12 =	simm.s32 $0x1080;
	v3 =	vadd.s32 v1, v3  }
0x22: {  	[tilespmem:s12], [sflag:$0x1] =	stream.indirect_vreg.gather [hbm4b:s5+s3], $0x80, v4, vm0, $0xb8;
	[tilespmem:$0x10080] =	vst v63  }
0x23: {  	s13 =	simm.s32 $0x1880  }
0x24: {  	[tilespmem:s13], [sflag:$0x1] =	stream.indirect_vreg.gather [hbm4b:s6+s3], $0x80, v4, vm0, $0xb8;
	[tilespmem:$0x10080] =	vst v63  }
0x25: {  	s15 =	simm.s32 $0x2080  }
0x26: {  	[tilespmem:s15], [sflag:$0x1] =	stream.indirect_vreg.gather [hbm4b:s1+s3], $0x80, v3, vm0, $0xb8;
	[tilespmem:$0x10080] =	vst v63  }
0x27: {  	s16 =	simm.s32 $0x2880  }
0x28: {  	[tilespmem:s16], [sflag:$0x1] =	stream.indirect_vreg.gather [hbm4b:s4+s3], $0x80, v3, vm0, $0xb8;
	[tilespmem:$0x10080] =	vst v63  }
0x29: {  	s17 =	simm.s32 $0x3080  }
0x2a: {  	[tilespmem:s17], [sflag:$0x1] =	stream.indirect_vreg.gather [hbm4b:s5+s3], $0x80, v3, vm0, $0xb8;
	[tilespmem:$0x10080] =	vst v63  }
0x2b: {  	s19 =	simm.s32 $0x3880  }
0x2c: {  	[tilespmem:s19], [sflag:$0x1] =	stream.indirect_vreg.gather [hbm4b:s6+s3], $0x80, v3, vm0, $0xb8;
	[tilespmem:$0x10080] =	vst v63  }
0x2d: {  	v3 =	vld [tilespmem:$0x10];
	_ =	sdelay $0x4  }
0x2e: {  	v49 =	vshll.u32 v3, $0x3  }
0x2f: {  	v3 =	vand.u32 $0x7, v3;
	v4 =	vand.u32 $0xFFFFFFC0, v49  }
0x30: {  	v3 =	vor.u32 v3, v4  }
0x31: {  	v4 =	vperm.xlane v3, v0;
	_ =	sdelay $0x1  }
0x32: {  	v4 =	vadd.s32 v1, v4;
	_ =	sdelay $0x3  }
0x33: {  	s20 =	simm.s32 $0x4080  }
0x34: {  	[tilespmem:s20], [sflag:$0x1] =	stream.indirect_vreg.gather [hbm4b:s1+s3], $0x80, v4, vm0, $0xb8;
	[tilespmem:$0x10080] =	vst v63  }
0x35: {  	s21 =	simm.s32 $0x4880;
	v3 =	vperm.xlane v3, v2  }
0x36: {  	[tilespmem:s21], [sflag:$0x1] =	stream.indirect_vreg.gather [hbm4b:s4+s3], $0x80, v4, vm0, $0xb8;
	[tilespmem:$0x10080] =	vst v63  }
0x37: {  	s22 =	simm.s32 $0x5080;
	v3 =	vadd.s32 v1, v3  }
0x38: {  	[tilespmem:s22], [sflag:$0x1] =	stream.indirect_vreg.gather [hbm4b:s5+s3], $0x80, v4, vm0, $0xb8;
	[tilespmem:$0x10080] =	vst v63  }
0x39: {  	s24 =	simm.s32 $0x5880  }
0x3a: {  	[tilespmem:s24], [sflag:$0x1] =	stream.indirect_vreg.gather [hbm4b:s6+s3], $0x80, v4, vm0, $0xb8;
	[tilespmem:$0x10080] =	vst v63  }
0x3b: {  	s25 =	simm.s32 $0x6080  }
0x3c: {  	[tilespmem:s25], [sflag:$0x1] =	stream.indirect_vreg.gather [hbm4b:s1+s3], $0x80, v3, vm0, $0xb8;
	[tilespmem:$0x10080] =	vst v63  }
0x3d: {  	s26 =	simm.s32 $0x6880  }
0x3e: {  	[tilespmem:s26], [sflag:$0x1] =	stream.indirect_vreg.gather [hbm4b:s4+s3], $0x80, v3, vm0, $0xb8;
	[tilespmem:$0x10080] =	vst v63  }
0x3f: {  	s28 =	simm.s32 $0x7080  }
0x40: {  	[tilespmem:s28], [sflag:$0x1] =	stream.indirect_vreg.gather [hbm4b:s5+s3], $0x80, v3, vm0, $0xb8;
	[tilespmem:$0x10080] =	vst v63  }
0x41: {  	s29 =	simm.s32 $0x7880  }
0x42: {  	[tilespmem:s29], [sflag:$0x1] =	stream.indirect_vreg.gather [hbm4b:s6+s3], $0x80, v3, vm0, $0xb8;
	[tilespmem:$0x10080] =	vst v63  }
0x43: {  	v3 =	vld [tilespmem:$0x20];
	_ =	sdelay $0x4  }
0x44: {  	v50 =	vshll.u32 v3, $0x3  }
0x45: {  	v3 =	vand.u32 $0x7, v3;
	v4 =	vand.u32 $0xFFFFFFC0, v50  }
0x46: {  	v3 =	vor.u32 v3, v4  }
0x47: {  	v4 =	vperm.xlane v3, v0;
	_ =	sdelay $0x1  }
0x48: {  	v4 =	vadd.s32 v1, v4;
	_ =	sdelay $0x3  }
0x49: {  	s30 =	simm.s32 $0x8080  }
0x4a: {  	[tilespmem:s30], [sflag:$0x1] =	stream.indirect_vreg.gather [hbm4b:s1+s3], $0x80, v4, vm0, $0xb8;
	[tilespmem:$0x10080] =	vst v63  }
0x4b: {  	s16 =	simm.s32 $0x8880;
	v3 =	vperm.xlane v3, v2  }
0x4c: {  	[tilespmem:s16], [sflag:$0x1] =	stream.indirect_vreg.gather [hbm4b:s4+s3], $0x80, v4, vm0, $0xb8;
	[tilespmem:$0x10080] =	vst v63  }
0x4d: {  	s17 =	simm.s32 $0x9080;
	v3 =	vadd.s32 v1, v3  }
0x4e: {  	[tilespmem:s17], [sflag:$0x1] =	stream.indirect_vreg.gather [hbm4b:s5+s3], $0x80, v4, vm0, $0xb8;
	[tilespmem:$0x10080] =	vst v63  }
0x4f: {  	s19 =	simm.s32 $0x9880  }
0x50: {  	[tilespmem:s19], [sflag:$0x1] =	stream.indirect_vreg.gather [hbm4b:s6+s3], $0x80, v4, vm0, $0xb8;
	[tilespmem:$0x10080] =	vst v63  }
0x51: {  	s20 =	simm.s32 $0xA080  }
0x52: {  	[tilespmem:s20], [sflag:$0x1] =	stream.indirect_vreg.gather [hbm4b:s1+s3], $0x80, v3, vm0, $0xb8;
	[tilespmem:$0x10080] =	vst v63  }
0x53: {  	s21 =	simm.s32 $0xA880  }
0x54: {  	[tilespmem:s21], [sflag:$0x1] =	stream.indirect_vreg.gather [hbm4b:s4+s3], $0x80, v3, vm0, $0xb8;
	[tilespmem:$0x10080] =	vst v63  }
0x55: {  	s22 =	simm.s32 $0xB080  }
0x56: {  	[tilespmem:s22], [sflag:$0x1] =	stream.indirect_vreg.gather [hbm4b:s5+s3], $0x80, v3, vm0, $0xb8;
	[tilespmem:$0x10080] =	vst v63  }
0x57: {  	s24 =	simm.s32 $0xB880  }
0x58: {  	[tilespmem:s24], [sflag:$0x1] =	stream.indirect_vreg.gather [hbm4b:s6+s3], $0x80, v3, vm0, $0xb8;
	[tilespmem:$0x10080] =	vst v63  }
0x59: {  	v3 =	vld [tilespmem:$0x30];
	_ =	sdelay $0x4  }
0x5a: {  	v51 =	vshll.u32 v3, $0x3  }
0x5b: {  	v3 =	vand.u32 $0x7, v3;
	v4 =	vand.u32 $0xFFFFFFC0, v51  }
0x5c: {  	v3 =	vor.u32 v3, v4  }
0x5d: {  	v4 =	vperm.xlane v3, v0;
	_ =	sdelay $0x1  }
0x5e: {  	v4 =	vadd.s32 v1, v4;
	_ =	sdelay $0x3  }
0x5f: {  	s25 =	simm.s32 $0xC080  }
0x60: {  	[tilespmem:s25], [sflag:$0x1] =	stream.indirect_vreg.gather [hbm4b:s1+s3], $0x80, v4, vm0, $0xb8;
	[tilespmem:$0x10080] =	vst v63  }
0x61: {  	s26 =	simm.s32 $0xC880;
	v3 =	vperm.xlane v3, v2  }
0x62: {  	[tilespmem:s26], [sflag:$0x1] =	stream.indirect_vreg.gather [hbm4b:s4+s3], $0x80, v4, vm0, $0xb8;
	[tilespmem:$0x10080] =	vst v63  }
0x63: {  	s29 =	simm.s32 $0xD080;
	v3 =	vadd.s32 v1, v3  }
0x64: {  	[tilespmem:s29], [sflag:$0x1] =	stream.indirect_vreg.gather [hbm4b:s5+s3], $0x80, v4, vm0, $0xb8;
	[tilespmem:$0x10080] =	vst v63  }
0x65: {  	s0 =	simm.s32 $0xD880  }
0x66: {  	[tilespmem:s0], [sflag:$0x1] =	stream.indirect_vreg.gather [hbm4b:s6+s3], $0x80, v4, vm0, $0xb8;
	[tilespmem:$0x10080] =	vst v63  }
0x67: {  	s16 =	simm.s32 $0xE080  }
0x68: {  	[tilespmem:s16], [sflag:$0x1] =	stream.indirect_vreg.gather [hbm4b:s1+s3], $0x80, v3, vm0, $0xb8;
	[tilespmem:$0x10080] =	vst v63  }
0x69: {  	s17 =	simm.s32 $0xE880  }
0x6a: {  	[tilespmem:s17], [sflag:$0x1] =	stream.indirect_vreg.gather [hbm4b:s4+s3], $0x80, v3, vm0, $0xb8;
	[tilespmem:$0x10080] =	vst v63  }
0x6b: {  	s24 =	simm.s32 $0xF080  }
0x6c: {  	[tilespmem:s24], [sflag:$0x1] =	stream.indirect_vreg.gather [hbm4b:s5+s3], $0x80, v3, vm0, $0xb8;
	[tilespmem:$0x10080] =	vst v63  }
0x6d: {  	s25 =	simm.s32 $0xF880  }
0x6e: {  	[tilespmem:s25], [sflag:$0x1] =	stream.indirect_vreg.gather [hbm4b:s6+s3], $0x80, v3, vm0, $0xb8;
	[tilespmem:$0x10080] =	vst v63  }
0x6f: {  	_ =	swait.ge [sflag:s18], $0x10000  }
0x70: {  	[sflag:s18] =	ssyncset.done $0x0  }
0x71: {  	s0 =	rddreg [dreg:$0x5];
	[sflag:s18] =	ssyncadd.s32 $0xFFFF0000  }
0x72: {  	[hbm4b:s0+s3] =	stream.linear.scatter [tilespmem:s23], [sflag:$0x2], $0x10000, $0x38;
	[tilespmem:$0x10080] =	vst v63  }
0x73: {  	_ =	swait.ge [sflag:s8], $0x10000  }
0x74: {  	[sflag:s8] =	ssyncset.done $0x0  }
0x75: {  	s16 =	rddreg [dreg:$0x6];
	[sflag:s8] =	ssyncadd.s32 $0xFFFF0000  }
0x76: {  	[tilespmem:s3], [sflag:$0x2] =	stream.linear.gather [hbm4b:s16+s3], $0x40, $0x38;
	[tilespmem:$0x10080] =	vst v63  }
0x77: {  	_ =	swait.ge [sflag:s8], $0x40  }
0x78: {  	[sflag:s8] =	ssyncset.done $0x0  }
0x79: {  	[sflag:s8] =	ssyncadd.s32 $0xFFFFFFC0  }
0x7a: {  	v3 =	vld [tilespmem:$0x0];
	_ =	sdelay $0x4  }
0x7b: {  	v52 =	vshll.u32 v3, $0x3  }
0x7c: {  	v3 =	vand.u32 $0x7, v3;
	v4 =	vand.u32 $0xFFFFFFC0, v52  }
0x7d: {  	v3 =	vor.u32 v3, v4  }
0x7e: {  	v4 =	vperm.xlane v3, v0;
	_ =	sdelay $0x1  }
0x7f: {  	v4 =	vadd.s32 v1, v4;
	_ =	sdelay $0x4  }
0x80: {  	[tilespmem:s23], [sflag:$0x1] =	stream.indirect_vreg.gather [hbm4b:s1+s3], $0x80, v4, vm0, $0xb8;
	[tilespmem:$0x10080] =	vst v63  }
0x81: {  	s14 =	simm.s32 $0x880;
	v3 =	vperm.xlane v3, v2  }
0x82: {  	[tilespmem:s14], [sflag:$0x1] =	stream.indirect_vreg.gather [hbm4b:s4+s3], $0x80, v4, vm0, $0xb8;
	[tilespmem:$0x10080] =	vst v63  }
0x83: {  	s2 =	simm.s32 $0x1080;
	v3 =	vadd.s32 v1, v3  }
0x84: {  	[tilespmem:s2], [sflag:$0x1] =	stream.indirect_vreg.gather [hbm4b:s5+s3], $0x80, v4, vm0, $0xb8;
	[tilespmem:$0x10080] =	vst v63  }
0x85: {  	s9 =	simm.s32 $0x1880  }
0x86: {  	[tilespmem:s9], [sflag:$0x1] =	stream.indirect_vreg.gather [hbm4b:s6+s3], $0x80, v4, vm0, $0xb8;
	[tilespmem:$0x10080] =	vst v63  }
0x87: {  	s10 =	simm.s32 $0x2080  }
0x88: {  	[tilespmem:s10], [sflag:$0x1] =	stream.indirect_vreg.gather [hbm4b:s1+s3], $0x80, v3, vm0, $0xb8;
	[tilespmem:$0x10080] =	vst v63  }
0x89: {  	s11 =	simm.s32 $0x2880  }
0x8a: {  	[tilespmem:s11], [sflag:$0x1] =	stream.indirect_vreg.gather [hbm4b:s4+s3], $0x80, v3, vm0, $0xb8;
	[tilespmem:$0x10080] =	vst v63  }
0x8b: {  	s12 =	simm.s32 $0x3080  }
0x8c: {  	[tilespmem:s12], [sflag:$0x1] =	stream.indirect_vreg.gather [hbm4b:s5+s3], $0x80, v3, vm0, $0xb8;
	[tilespmem:$0x10080] =	vst v63  }
0x8d: {  	s15 =	simm.s32 $0x3880  }
0x8e: {  	[tilespmem:s15], [sflag:$0x1] =	stream.indirect_vreg.gather [hbm4b:s6+s3], $0x80, v3, vm0, $0xb8;
	[tilespmem:$0x10080] =	vst v63  }
0x8f: {  	v3 =	vld [tilespmem:$0x10];
	_ =	sdelay $0x4  }
0x90: {  	v53 =	vshll.u32 v3, $0x3  }
0x91: {  	v3 =	vand.u32 $0x7, v3;
	v4 =	vand.u32 $0xFFFFFFC0, v53  }
0x92: {  	v3 =	vor.u32 v3, v4  }
0x93: {  	v4 =	vperm.xlane v3, v0;
	_ =	sdelay $0x1  }
0x94: {  	v4 =	vadd.s32 v1, v4;
	_ =	sdelay $0x3  }
0x95: {  	s16 =	simm.s32 $0x4080  }
0x96: {  	[tilespmem:s16], [sflag:$0x1] =	stream.indirect_vreg.gather [hbm4b:s1+s3], $0x80, v4, vm0, $0xb8;
	[tilespmem:$0x10080] =	vst v63  }
0x97: {  	s31 =	simm.s32 $0x4880;
	v3 =	vperm.xlane v3, v2  }
0x98: {  	[tilespmem:s31], [sflag:$0x1] =	stream.indirect_vreg.gather [hbm4b:s4+s3], $0x80, v4, vm0, $0xb8;
	[tilespmem:$0x10080] =	vst v63  }
0x99: {  	s13 =	simm.s32 $0x5080;
	v3 =	vadd.s32 v1, v3  }
0x9a: {  	[tilespmem:s13], [sflag:$0x1] =	stream.indirect_vreg.gather [hbm4b:s5+s3], $0x80, v4, vm0, $0xb8;
	[tilespmem:$0x10080] =	vst v63  }
0x9b: {  	s31 =	simm.s32 $0x5880  }
0x9c: {  	[tilespmem:s31], [sflag:$0x1] =	stream.indirect_vreg.gather [hbm4b:s6+s3], $0x80, v4, vm0, $0xb8;
	[tilespmem:$0x10080] =	vst v63  }
0x9d: {  	s0 =	simm.s32 $0x6080  }
0x9e: {  	[tilespmem:s0], [sflag:$0x1] =	stream.indirect_vreg.gather [hbm4b:s1+s3], $0x80, v3, vm0, $0xb8;
	[tilespmem:$0x10080] =	vst v63  }
0x9f: {  	s2 =	simm.s32 $0x6880  }
0xa0: {  	[tilespmem:s2], [sflag:$0x1] =	stream.indirect_vreg.gather [hbm4b:s4+s3], $0x80, v3, vm0, $0xb8;
	[tilespmem:$0x10080] =	vst v63  }
0xa1: {  	s9 =	simm.s32 $0x7080  }
0xa2: {  	[tilespmem:s9], [sflag:$0x1] =	stream.indirect_vreg.gather [hbm4b:s5+s3], $0x80, v3, vm0, $0xb8;
	[tilespmem:$0x10080] =	vst v63  }
0xa3: {  	s13 =	simm.s32 $0x7880  }
0xa4: {  	[tilespmem:s13], [sflag:$0x1] =	stream.indirect_vreg.gather [hbm4b:s6+s3], $0x80, v3, vm0, $0xb8;
	[tilespmem:$0x10080] =	vst v63  }
0xa5: {  	v3 =	vld [tilespmem:$0x20];
	_ =	sdelay $0x4  }
0xa6: {  	v54 =	vshll.u32 v3, $0x3  }
0xa7: {  	v3 =	vand.u32 $0x7, v3;
	v4 =	vand.u32 $0xFFFFFFC0, v54  }
0xa8: {  	v3 =	vor.u32 v3, v4  }
0xa9: {  	v4 =	vperm.xlane v3, v0;
	_ =	sdelay $0x1  }
0xaa: {  	v4 =	vadd.s32 v1, v4;
	_ =	sdelay $0x3  }
0xab: {  	s14 =	simm.s32 $0x8080  }
0xac: {  	[tilespmem:s14], [sflag:$0x1] =	stream.indirect_vreg.gather [hbm4b:s1+s3], $0x80, v4, vm0, $0xb8;
	[tilespmem:$0x10080] =	vst v63  }
0xad: {  	s15 =	simm.s32 $0x8880;
	v3 =	vperm.xlane v3, v2  }
0xae: {  	[tilespmem:s15], [sflag:$0x1] =	stream.indirect_vreg.gather [hbm4b:s4+s3], $0x80, v4, vm0, $0xb8;
	[tilespmem:$0x10080] =	vst v63  }
0xaf: {  	s10 =	simm.s32 $0x9080;
	v3 =	vadd.s32 v1, v3  }
0xb0: {  	[tilespmem:s10], [sflag:$0x1] =	stream.indirect_vreg.gather [hbm4b:s5+s3], $0x80, v4, vm0, $0xb8;
	[tilespmem:$0x10080] =	vst v63  }
0xb1: {  	s11 =	simm.s32 $0x9880  }
0xb2: {  	[tilespmem:s11], [sflag:$0x1] =	stream.indirect_vreg.gather [hbm4b:s6+s3], $0x80, v4, vm0, $0xb8;
	[tilespmem:$0x10080] =	vst v63  }
0xb3: {  	s12 =	simm.s32 $0xA080  }
0xb4: {  	[tilespmem:s12], [sflag:$0x1] =	stream.indirect_vreg.gather [hbm4b:s1+s3], $0x80, v3, vm0, $0xb8;
	[tilespmem:$0x10080] =	vst v63  }
0xb5: {  	s30 =	simm.s32 $0xA880  }
0xb6: {  	[tilespmem:s30], [sflag:$0x1] =	stream.indirect_vreg.gather [hbm4b:s4+s3], $0x80, v3, vm0, $0xb8;
	[tilespmem:$0x10080] =	vst v63  }
0xb7: {  	s28 =	simm.s32 $0xB080  }
0xb8: {  	[tilespmem:s28], [sflag:$0x1] =	stream.indirect_vreg.gather [hbm4b:s5+s3], $0x80, v3, vm0, $0xb8;
	[tilespmem:$0x10080] =	vst v63  }
0xb9: {  	s20 =	simm.s32 $0xB880  }
0xba: {  	[tilespmem:s20], [sflag:$0x1] =	stream.indirect_vreg.gather [hbm4b:s6+s3], $0x80, v3, vm0, $0xb8;
	[tilespmem:$0x10080] =	vst v63  }
0xbb: {  	v3 =	vld [tilespmem:$0x30];
	_ =	sdelay $0x4  }
0xbc: {  	v55 =	vshll.u32 v3, $0x3  }
0xbd: {  	v3 =	vand.u32 $0x7, v3;
	v4 =	vand.u32 $0xFFFFFFC0, v55  }
0xbe: {  	v3 =	vor.u32 v3, v4  }
0xbf: {  	v4 =	vperm.xlane v3, v0;
	_ =	sdelay $0x1  }
0xc0: {  	v4 =	vadd.s32 v1, v4;
	_ =	sdelay $0x3  }
0xc1: {  	s21 =	simm.s32 $0xC080  }
0xc2: {  	[tilespmem:s21], [sflag:$0x1] =	stream.indirect_vreg.gather [hbm4b:s1+s3], $0x80, v4, vm0, $0xb8;
	[tilespmem:$0x10080] =	vst v63  }
0xc3: {  	s22 =	simm.s32 $0xC880;
	v3 =	vperm.xlane v3, v2  }
0xc4: {  	[tilespmem:s22], [sflag:$0x1] =	stream.indirect_vreg.gather [hbm4b:s4+s3], $0x80, v4, vm0, $0xb8;
	[tilespmem:$0x10080] =	vst v63  }
0xc5: {  	v3 =	vadd.s32 v1, v3;
	s22 =	simm.s32 $0xD080  }
0xc6: {  	[tilespmem:s22], [sflag:$0x1] =	stream.indirect_vreg.gather [hbm4b:s5+s3], $0x80, v4, vm0, $0xb8;
	[tilespmem:$0x10080] =	vst v63  }
0xc7: {  	s26 =	simm.s32 $0xD880  }
0xc8: {  	[tilespmem:s26], [sflag:$0x1] =	stream.indirect_vreg.gather [hbm4b:s6+s3], $0x80, v4, vm0, $0xb8;
	[tilespmem:$0x10080] =	vst v63  }
0xc9: {  	s29 =	simm.s32 $0xE080  }
0xca: {  	[tilespmem:s29], [sflag:$0x1] =	stream.indirect_vreg.gather [hbm4b:s1+s3], $0x80, v3, vm0, $0xb8;
	[tilespmem:$0x10080] =	vst v63  }
0xcb: {  	s26 =	simm.s32 $0xE880  }
0xcc: {  	[tilespmem:s26], [sflag:$0x1] =	stream.indirect_vreg.gather [hbm4b:s4+s3], $0x80, v3, vm0, $0xb8;
	[tilespmem:$0x10080] =	vst v63  }
0xcd: {  	s30 =	simm.s32 $0xF080  }
0xce: {  	[tilespmem:s30], [sflag:$0x1] =	stream.indirect_vreg.gather [hbm4b:s5+s3], $0x80, v3, vm0, $0xb8;
	[tilespmem:$0x10080] =	vst v63  }
0xcf: {  	s17 =	simm.s32 $0xF880  }
0xd0: {  	[tilespmem:s17], [sflag:$0x1] =	stream.indirect_vreg.gather [hbm4b:s6+s3], $0x80, v3, vm0, $0xb8;
	[tilespmem:$0x10080] =	vst v63  }
0xd1: {  	_ =	swait.ge [sflag:s18], $0x10000  }
0xd2: {  	[sflag:s18] =	ssyncset.done $0x0  }
0xd3: {  	s21 =	rddreg [dreg:$0x7];
	[sflag:s18] =	ssyncadd.s32 $0xFFFF0000  }
0xd4: {  	[hbm4b:s21+s3] =	stream.linear.scatter [tilespmem:s23], [sflag:$0x2], $0x10000, $0x38;
	[tilespmem:$0x10080] =	vst v63  }
0xd5: {  	_ =	swait.ge [sflag:s8], $0x10000  }
0xd6: {  	[sflag:s8] =	ssyncset.done $0x0  }
0xd7: {  	s17 =	rddreg [dreg:$0x8];
	[sflag:s8] =	ssyncadd.s32 $0xFFFF0000  }
0xd8: {  	[tilespmem:s3], [sflag:$0x2] =	stream.linear.gather [hbm4b:s17+s3], $0x40, $0x38;
	[tilespmem:$0x10080] =	vst v63  }
0xd9: {  	_ =	swait.ge [sflag:s8], $0x40  }
0xda: {  	[sflag:s8] =	ssyncset.done $0x0  }
0xdb: {  	[sflag:s8] =	ssyncadd.s32 $0xFFFFFFC0  }
0xdc: {  	v3 =	vld [tilespmem:$0x0];
	_ =	sdelay $0x4  }
0xdd: {  	v56 =	vshll.u32 v3, $0x3  }
0xde: {  	v3 =	vand.u32 $0x7, v3;
	v4 =	vand.u32 $0xFFFFFFC0, v56  }
0xdf: {  	v3 =	vor.u32 v3, v4  }
0xe0: {  	v4 =	vperm.xlane v3, v0;
	_ =	sdelay $0x1  }
0xe1: {  	v4 =	vadd.s32 v1, v4;
	_ =	sdelay $0x4  }
0xe2: {  	[tilespmem:s23], [sflag:$0x1] =	stream.indirect_vreg.gather [hbm4b:s1+s3], $0x80, v4, vm0, $0xb8;
	[tilespmem:$0x10080] =	vst v63  }
0xe3: {  	s21 =	simm.s32 $0x880;
	v3 =	vperm.xlane v3, v2  }
0xe4: {  	[tilespmem:s21], [sflag:$0x1] =	stream.indirect_vreg.gather [hbm4b:s4+s3], $0x80, v4, vm0, $0xb8;
	[tilespmem:$0x10080] =	vst v63  }
0xe5: {  	s25 =	simm.s32 $0x1080;
	v3 =	vadd.s32 v1, v3  }
0xe6: {  	[tilespmem:s25], [sflag:$0x1] =	stream.indirect_vreg.gather [hbm4b:s5+s3], $0x80, v4, vm0, $0xb8;
	[tilespmem:$0x10080] =	vst v63  }
0xe7: {  	s25 =	simm.s32 $0x1880  }
0xe8: {  	[tilespmem:s25], [sflag:$0x1] =	stream.indirect_vreg.gather [hbm4b:s6+s3], $0x80, v4, vm0, $0xb8;
	[tilespmem:$0x10080] =	vst v63  }
0xe9: {  	s19 =	simm.s32 $0x2080  }
0xea: {  	[tilespmem:s19], [sflag:$0x1] =	stream.indirect_vreg.gather [hbm4b:s1+s3], $0x80, v3, vm0, $0xb8;
	[tilespmem:$0x10080] =	vst v63  }
0xeb: {  	s25 =	simm.s32 $0x2880  }
0xec: {  	[tilespmem:s25], [sflag:$0x1] =	stream.indirect_vreg.gather [hbm4b:s4+s3], $0x80, v3, vm0, $0xb8;
	[tilespmem:$0x10080] =	vst v63  }
0xed: {  	s19 =	simm.s32 $0x3080  }
0xee: {  	[tilespmem:s19], [sflag:$0x1] =	stream.indirect_vreg.gather [hbm4b:s5+s3], $0x80, v3, vm0, $0xb8;
	[tilespmem:$0x10080] =	vst v63  }
0xef: {  	s25 =	simm.s32 $0x3880  }
0xf0: {  	[tilespmem:s25], [sflag:$0x1] =	stream.indirect_vreg.gather [hbm4b:s6+s3], $0x80, v3, vm0, $0xb8;
	[tilespmem:$0x10080] =	vst v63  }
0xf1: {  	v3 =	vld [tilespmem:$0x10];
	_ =	sdelay $0x4  }
0xf2: {  	v57 =	vshll.u32 v3, $0x3  }
0xf3: {  	v3 =	vand.u32 $0x7, v3;
	v4 =	vand.u32 $0xFFFFFFC0, v57  }
0xf4: {  	v3 =	vor.u32 v3, v4  }
0xf5: {  	v4 =	vperm.xlane v3, v0;
	_ =	sdelay $0x1  }
0xf6: {  	v4 =	vadd.s32 v1, v4;
	_ =	sdelay $0x4  }
0xf7: {  	[tilespmem:s16], [sflag:$0x1] =	stream.indirect_vreg.gather [hbm4b:s1+s3], $0x80, v4, vm0, $0xb8;
	[tilespmem:$0x10080] =	vst v63  }
0xf8: {  	s19 =	simm.s32 $0x4880;
	v3 =	vperm.xlane v3, v2  }
0xf9: {  	[tilespmem:s19], [sflag:$0x1] =	stream.indirect_vreg.gather [hbm4b:s4+s3], $0x80, v4, vm0, $0xb8;
	[tilespmem:$0x10080] =	vst v63  }
0xfa: {  	s25 =	simm.s32 $0x5080;
	v3 =	vadd.s32 v1, v3  }
0xfb: {  	[tilespmem:s25], [sflag:$0x1] =	stream.indirect_vreg.gather [hbm4b:s5+s3], $0x80, v4, vm0, $0xb8;
	[tilespmem:$0x10080] =	vst v63  }
0xfc: {  	_ = 	snop  }
0xfd: {  	[tilespmem:s31], [sflag:$0x1] =	stream.indirect_vreg.gather [hbm4b:s6+s3], $0x80, v4, vm0, $0xb8;
	[tilespmem:$0x10080] =	vst v63  }
0xfe: {  	_ = 	snop  }
0xff: {  	[tilespmem:s0], [sflag:$0x1] =	stream.indirect_vreg.gather [hbm4b:s1+s3], $0x80, v3, vm0, $0xb8;
	[tilespmem:$0x10080] =	vst v63  }
0x100: {  	_ = 	snop  }
0x101: {  	[tilespmem:s2], [sflag:$0x1] =	stream.indirect_vreg.gather [hbm4b:s4+s3], $0x80, v3, vm0, $0xb8;
	[tilespmem:$0x10080] =	vst v63  }
0x102: {  	_ = 	snop  }
0x103: {  	[tilespmem:s9], [sflag:$0x1] =	stream.indirect_vreg.gather [hbm4b:s5+s3], $0x80, v3, vm0, $0xb8;
	[tilespmem:$0x10080] =	vst v63  }
0x104: {  	_ = 	snop  }
0x105: {  	[tilespmem:s13], [sflag:$0x1] =	stream.indirect_vreg.gather [hbm4b:s6+s3], $0x80, v3, vm0, $0xb8;
	[tilespmem:$0x10080] =	vst v63  }
0x106: {  	v3 =	vld [tilespmem:$0x20];
	_ =	sdelay $0x4  }
0x107: {  	v58 =	vshll.u32 v3, $0x3  }
0x108: {  	v3 =	vand.u32 $0x7, v3;
	v4 =	vand.u32 $0xFFFFFFC0, v58  }
0x109: {  	v3 =	vor.u32 v3, v4  }
0x10a: {  	v4 =	vperm.xlane v3, v0;
	_ =	sdelay $0x1  }
0x10b: {  	v4 =	vadd.s32 v1, v4;
	_ =	sdelay $0x4  }
0x10c: {  	[tilespmem:s14], [sflag:$0x1] =	stream.indirect_vreg.gather [hbm4b:s1+s3], $0x80, v4, vm0, $0xb8;
	[tilespmem:$0x10080] =	vst v63  }
0x10d: {  	v3 =	vperm.xlane v3, v2  }
0x10e: {  	[tilespmem:s15], [sflag:$0x1] =	stream.indirect_vreg.gather [hbm4b:s4+s3], $0x80, v4, vm0, $0xb8;
	[tilespmem:$0x10080] =	vst v63  }
0x10f: {  	v3 =	vadd.s32 v1, v3  }
0x110: {  	[tilespmem:s10], [sflag:$0x1] =	stream.indirect_vreg.gather [hbm4b:s5+s3], $0x80, v4, vm0, $0xb8;
	[tilespmem:$0x10080] =	vst v63  }
0x111: {  	_ = 	snop  }
0x112: {  	[tilespmem:s11], [sflag:$0x1] =	stream.indirect_vreg.gather [hbm4b:s6+s3], $0x80, v4, vm0, $0xb8;
	[tilespmem:$0x10080] =	vst v63  }
0x113: {  	_ = 	snop  }
0x114: {  	[tilespmem:s12], [sflag:$0x1] =	stream.indirect_vreg.gather [hbm4b:s1+s3], $0x80, v3, vm0, $0xb8;
	[tilespmem:$0x10080] =	vst v63  }
0x115: {  	s24 =	simm.s32 $0xA880  }
0x116: {  	[tilespmem:s24], [sflag:$0x1] =	stream.indirect_vreg.gather [hbm4b:s4+s3], $0x80, v3, vm0, $0xb8;
	[tilespmem:$0x10080] =	vst v63  }
0x117: {  	s28 =	simm.s32 $0xB080  }
0x118: {  	[tilespmem:s28], [sflag:$0x1] =	stream.indirect_vreg.gather [hbm4b:s5+s3], $0x80, v3, vm0, $0xb8;
	[tilespmem:$0x10080] =	vst v63  }
0x119: {  	s28 =	simm.s32 $0xB880  }
0x11a: {  	[tilespmem:s28], [sflag:$0x1] =	stream.indirect_vreg.gather [hbm4b:s6+s3], $0x80, v3, vm0, $0xb8;
	[tilespmem:$0x10080] =	vst v63  }
0x11b: {  	v3 =	vld [tilespmem:$0x30];
	_ =	sdelay $0x4  }
0x11c: {  	v59 =	vshll.u32 v3, $0x3  }
0x11d: {  	v3 =	vand.u32 $0x7, v3;
	v4 =	vand.u32 $0xFFFFFFC0, v59  }
0x11e: {  	v3 =	vor.u32 v3, v4  }
0x11f: {  	v4 =	vperm.xlane v3, v0;
	_ =	sdelay $0x1  }
0x120: {  	v4 =	vadd.s32 v1, v4;
	_ =	sdelay $0x3  }
0x121: {  	s24 =	simm.s32 $0xC080  }
0x122: {  	[tilespmem:s24], [sflag:$0x1] =	stream.indirect_vreg.gather [hbm4b:s1+s3], $0x80, v4, vm0, $0xb8;
	[tilespmem:$0x10080] =	vst v63  }
0x123: {  	s25 =	simm.s32 $0xC880;
	v3 =	vperm.xlane v3, v2  }
0x124: {  	[tilespmem:s25], [sflag:$0x1] =	stream.indirect_vreg.gather [hbm4b:s4+s3], $0x80, v4, vm0, $0xb8;
	[tilespmem:$0x10080] =	vst v63  }
0x125: {  	s20 =	simm.s32 $0xD080;
	v3 =	vadd.s32 v1, v3  }
0x126: {  	[tilespmem:s20], [sflag:$0x1] =	stream.indirect_vreg.gather [hbm4b:s5+s3], $0x80, v4, vm0, $0xb8;
	[tilespmem:$0x10080] =	vst v63  }
0x127: {  	s22 =	simm.s32 $0xD880  }
0x128: {  	[tilespmem:s22], [sflag:$0x1] =	stream.indirect_vreg.gather [hbm4b:s6+s3], $0x80, v4, vm0, $0xb8;
	[tilespmem:$0x10080] =	vst v63  }
0x129: {  	s29 =	simm.s32 $0xE080  }
0x12a: {  	[tilespmem:s29], [sflag:$0x1] =	stream.indirect_vreg.gather [hbm4b:s1+s3], $0x80, v3, vm0, $0xb8;
	[tilespmem:$0x10080] =	vst v63  }
0x12b: {  	s26 =	simm.s32 $0xE880  }
0x12c: {  	[tilespmem:s26], [sflag:$0x1] =	stream.indirect_vreg.gather [hbm4b:s4+s3], $0x80, v3, vm0, $0xb8;
	[tilespmem:$0x10080] =	vst v63  }
0x12d: {  	s30 =	simm.s32 $0xF080  }
0x12e: {  	[tilespmem:s30], [sflag:$0x1] =	stream.indirect_vreg.gather [hbm4b:s5+s3], $0x80, v3, vm0, $0xb8;
	[tilespmem:$0x10080] =	vst v63  }
0x12f: {  	s26 =	simm.s32 $0xF880  }
0x130: {  	[tilespmem:s26], [sflag:$0x1] =	stream.indirect_vreg.gather [hbm4b:s6+s3], $0x80, v3, vm0, $0xb8;
	[tilespmem:$0x10080] =	vst v63  }
0x131: {  	_ =	swait.ge [sflag:s18], $0x10000  }
0x132: {  	[sflag:s18] =	ssyncset.done $0x0  }
0x133: {  	s29 =	rddreg [dreg:$0x9];
	[sflag:s18] =	ssyncadd.s32 $0xFFFF0000  }
0x134: {  	[hbm4b:s29+s3] =	stream.linear.scatter [tilespmem:s23], [sflag:$0x2], $0x10000, $0x38;
	[tilespmem:$0x10080] =	vst v63  }
0x135: {  	_ =	swait.ge [sflag:s8], $0x10000  }
0x136: {  	[sflag:s8] =	ssyncset.done $0x0  }
0x137: {  	s30 =	rddreg [dreg:$0xa];
	[sflag:s8] =	ssyncadd.s32 $0xFFFF0000  }
0x138: {  	[tilespmem:s3], [sflag:$0x2] =	stream.linear.gather [hbm4b:s30+s3], $0x40, $0x38;
	[tilespmem:$0x10080] =	vst v63  }
0x139: {  	_ =	swait.ge [sflag:s8], $0x40  }
0x13a: {  	[sflag:s8] =	ssyncset.done $0x0  }
0x13b: {  	[sflag:s8] =	ssyncadd.s32 $0xFFFFFFC0  }
0x13c: {  	v3 =	vld [tilespmem:$0x0];
	_ =	sdelay $0x4  }
0x13d: {  	v60 =	vshll.u32 v3, $0x3  }
0x13e: {  	v3 =	vand.u32 $0x7, v3;
	v4 =	vand.u32 $0xFFFFFFC0, v60  }
0x13f: {  	v3 =	vor.u32 v3, v4  }
0x140: {  	v4 =	vperm.xlane v3, v0;
	_ =	sdelay $0x1  }
0x141: {  	v4 =	vadd.s32 v1, v4;
	_ =	sdelay $0x4  }
0x142: {  	[tilespmem:s23], [sflag:$0x1] =	stream.indirect_vreg.gather [hbm4b:s1+s3], $0x80, v4, vm0, $0xb8;
	[tilespmem:$0x10080] =	vst v63  }
0x143: {  	s29 =	simm.s32 $0x880;
	v3 =	vperm.xlane v3, v2  }
0x144: {  	[tilespmem:s29], [sflag:$0x1] =	stream.indirect_vreg.gather [hbm4b:s4+s3], $0x80, v4, vm0, $0xb8;
	[tilespmem:$0x10080] =	vst v63  }
0x145: {  	s21 =	simm.s32 $0x1080;
	v3 =	vadd.s32 v1, v3  }
0x146: {  	[tilespmem:s21], [sflag:$0x1] =	stream.indirect_vreg.gather [hbm4b:s5+s3], $0x80, v4, vm0, $0xb8;
	[tilespmem:$0x10080] =	vst v63  }
0x147: {  	s30 =	simm.s32 $0x1880  }
0x148: {  	[tilespmem:s30], [sflag:$0x1] =	stream.indirect_vreg.gather [hbm4b:s6+s3], $0x80, v4, vm0, $0xb8;
	[tilespmem:$0x10080] =	vst v63  }
0x149: {  	s21 =	simm.s32 $0x2080  }
0x14a: {  	[tilespmem:s21], [sflag:$0x1] =	stream.indirect_vreg.gather [hbm4b:s1+s3], $0x80, v3, vm0, $0xb8;
	[tilespmem:$0x10080] =	vst v63  }
0x14b: {  	s29 =	simm.s32 $0x2880  }
0x14c: {  	[tilespmem:s29], [sflag:$0x1] =	stream.indirect_vreg.gather [hbm4b:s4+s3], $0x80, v3, vm0, $0xb8;
	[tilespmem:$0x10080] =	vst v63  }
0x14d: {  	s30 =	simm.s32 $0x3080  }
0x14e: {  	[tilespmem:s30], [sflag:$0x1] =	stream.indirect_vreg.gather [hbm4b:s5+s3], $0x80, v3, vm0, $0xb8;
	[tilespmem:$0x10080] =	vst v63  }
0x14f: {  	s21 =	simm.s32 $0x3880  }
0x150: {  	[tilespmem:s21], [sflag:$0x1] =	stream.indirect_vreg.gather [hbm4b:s6+s3], $0x80, v3, vm0, $0xb8;
	[tilespmem:$0x10080] =	vst v63  }
0x151: {  	v3 =	vld [tilespmem:$0x10];
	_ =	sdelay $0x4  }
0x152: {  	v61 =	vshll.u32 v3, $0x3  }
0x153: {  	v3 =	vand.u32 $0x7, v3;
	v4 =	vand.u32 $0xFFFFFFC0, v61  }
0x154: {  	v3 =	vor.u32 v3, v4  }
0x155: {  	v4 =	vperm.xlane v3, v0;
	_ =	sdelay $0x1  }
0x156: {  	v4 =	vadd.s32 v1, v4;
	_ =	sdelay $0x3  }
0x157: {  	s16 =	simm.s32 $0x4080  }
0x158: {  	[tilespmem:s16], [sflag:$0x1] =	stream.indirect_vreg.gather [hbm4b:s1+s3], $0x80, v4, vm0, $0xb8;
	[tilespmem:$0x10080] =	vst v63  }
0x159: {  	s29 =	simm.s32 $0x4880;
	v3 =	vperm.xlane v3, v2  }
0x15a: {  	[tilespmem:s29], [sflag:$0x1] =	stream.indirect_vreg.gather [hbm4b:s4+s3], $0x80, v4, vm0, $0xb8;
	[tilespmem:$0x10080] =	vst v63  }
0x15b: {  	s30 =	simm.s32 $0x5080;
	v3 =	vadd.s32 v1, v3  }
0x15c: {  	[tilespmem:s30], [sflag:$0x1] =	stream.indirect_vreg.gather [hbm4b:s5+s3], $0x80, v4, vm0, $0xb8;
	[tilespmem:$0x10080] =	vst v63  }
0x15d: {  	s17 =	simm.s32 $0x5880  }
0x15e: {  	[tilespmem:s17], [sflag:$0x1] =	stream.indirect_vreg.gather [hbm4b:s6+s3], $0x80, v4, vm0, $0xb8;
	[tilespmem:$0x10080] =	vst v63  }
0x15f: {  	s0 =	simm.s32 $0x6080  }
0x160: {  	[tilespmem:s0], [sflag:$0x1] =	stream.indirect_vreg.gather [hbm4b:s1+s3], $0x80, v3, vm0, $0xb8;
	[tilespmem:$0x10080] =	vst v63  }
0x161: {  	s2 =	simm.s32 $0x6880  }
0x162: {  	[tilespmem:s2], [sflag:$0x1] =	stream.indirect_vreg.gather [hbm4b:s4+s3], $0x80, v3, vm0, $0xb8;
	[tilespmem:$0x10080] =	vst v63  }
0x163: {  	s9 =	simm.s32 $0x7080  }
0x164: {  	[tilespmem:s9], [sflag:$0x1] =	stream.indirect_vreg.gather [hbm4b:s5+s3], $0x80, v3, vm0, $0xb8;
	[tilespmem:$0x10080] =	vst v63  }
0x165: {  	s13 =	simm.s32 $0x7880  }
0x166: {  	[tilespmem:s13], [sflag:$0x1] =	stream.indirect_vreg.gather [hbm4b:s6+s3], $0x80, v3, vm0, $0xb8;
	[tilespmem:$0x10080] =	vst v63  }
0x167: {  	v3 =	vld [tilespmem:$0x20];
	_ =	sdelay $0x4  }
0x168: {  	v62 =	vshll.u32 v3, $0x3  }
0x169: {  	v3 =	vand.u32 $0x7, v3;
	v4 =	vand.u32 $0xFFFFFFC0, v62  }
0x16a: {  	v3 =	vor.u32 v3, v4  }
0x16b: {  	v4 =	vperm.xlane v3, v0;
	_ =	sdelay $0x1  }
0x16c: {  	v4 =	vadd.s32 v1, v4;
	_ =	sdelay $0x3  }
0x16d: {  	s14 =	simm.s32 $0x8080  }
0x16e: {  	[tilespmem:s14], [sflag:$0x1] =	stream.indirect_vreg.gather [hbm4b:s1+s3], $0x80, v4, vm0, $0xb8;
	[tilespmem:$0x10080] =	vst v63  }
0x16f: {  	s15 =	simm.s32 $0x8880;
	v3 =	vperm.xlane v3, v2  }
0x170: {  	[tilespmem:s15], [sflag:$0x1] =	stream.indirect_vreg.gather [hbm4b:s4+s3], $0x80, v4, vm0, $0xb8;
	[tilespmem:$0x10080] =	vst v63  }
0x171: {  	s10 =	simm.s32 $0x9080;
	v3 =	vadd.s32 v1, v3  }
0x172: {  	[tilespmem:s10], [sflag:$0x1] =	stream.indirect_vreg.gather [hbm4b:s5+s3], $0x80, v4, vm0, $0xb8;
	[tilespmem:$0x10080] =	vst v63  }
0x173: {  	s11 =	simm.s32 $0x9880  }
0x174: {  	[tilespmem:s11], [sflag:$0x1] =	stream.indirect_vreg.gather [hbm4b:s6+s3], $0x80, v4, vm0, $0xb8;
	[tilespmem:$0x10080] =	vst v63  }
0x175: {  	s12 =	simm.s32 $0xA080  }
0x176: {  	[tilespmem:s12], [sflag:$0x1] =	stream.indirect_vreg.gather [hbm4b:s1+s3], $0x80, v3, vm0, $0xb8;
	[tilespmem:$0x10080] =	vst v63  }
0x177: {  	s31 =	simm.s32 $0xA880  }
0x178: {  	[tilespmem:s31], [sflag:$0x1] =	stream.indirect_vreg.gather [hbm4b:s4+s3], $0x80, v3, vm0, $0xb8;
	[tilespmem:$0x10080] =	vst v63  }
0x179: {  	s19 =	simm.s32 $0xB080  }
0x17a: {  	[tilespmem:s19], [sflag:$0x1] =	stream.indirect_vreg.gather [hbm4b:s5+s3], $0x80, v3, vm0, $0xb8;
	[tilespmem:$0x10080] =	vst v63  }
0x17b: {  	s21 =	simm.s32 $0xB880  }
0x17c: {  	[tilespmem:s21], [sflag:$0x1] =	stream.indirect_vreg.gather [hbm4b:s6+s3], $0x80, v3, vm0, $0xb8;
	[tilespmem:$0x10080] =	vst v63  }
0x17d: {  	v3 =	vld [tilespmem:$0x30];
	_ =	sdelay $0x4  }
0x17e: {  	v63 =	vshll.u32 v3, $0x3  }
0x17f: {  	v3 =	vand.u32 $0x7, v3;
	v4 =	vand.u32 $0xFFFFFFC0, v63  }
0x180: {  	v3 =	vor.u32 v3, v4  }
0x181: {  	v4 =	vperm.xlane v3, v0;
	_ =	sdelay $0x1  }
0x182: {  	v4 =	vadd.s32 v1, v4;
	_ =	sdelay $0x3  }
0x183: {  	s29 =	simm.s32 $0xC080  }
0x184: {  	[tilespmem:s29], [sflag:$0x1] =	stream.indirect_vreg.gather [hbm4b:s1+s3], $0x80, v4, vm0, $0xb8;
	[tilespmem:$0x10080] =	vst v63  }
0x185: {  	s30 =	simm.s32 $0xC880;
	v3 =	vperm.xlane v3, v2  }
0x186: {  	[tilespmem:s30], [sflag:$0x1] =	stream.indirect_vreg.gather [hbm4b:s4+s3], $0x80, v4, vm0, $0xb8;
	[tilespmem:$0x10080] =	vst v63  }
0x187: {  	s28 =	simm.s32 $0xD080;
	v3 =	vadd.s32 v1, v3  }
0x188: {  	[tilespmem:s28], [sflag:$0x1] =	stream.indirect_vreg.gather [hbm4b:s5+s3], $0x80, v4, vm0, $0xb8;
	[tilespmem:$0x10080] =	vst v63  }
0x189: {  	s20 =	simm.s32 $0xD880  }
0x18a: {  	[tilespmem:s20], [sflag:$0x1] =	stream.indirect_vreg.gather [hbm4b:s6+s3], $0x80, v4, vm0, $0xb8;
	[tilespmem:$0x10080] =	vst v63  }
0x18b: {  	s24 =	simm.s32 $0xE080  }
0x18c: {  	[tilespmem:s24], [sflag:$0x1] =	stream.indirect_vreg.gather [hbm4b:s1+s3], $0x80, v3, vm0, $0xb8;
	[tilespmem:$0x10080] =	vst v63  }
0x18d: {  	s22 =	simm.s32 $0xE880  }
0x18e: {  	[tilespmem:s22], [sflag:$0x1] =	stream.indirect_vreg.gather [hbm4b:s4+s3], $0x80, v3, vm0, $0xb8;
	[tilespmem:$0x10080] =	vst v63  }
0x18f: {  	s25 =	simm.s32 $0xF080  }
0x190: {  	[tilespmem:s25], [sflag:$0x1] =	stream.indirect_vreg.gather [hbm4b:s5+s3], $0x80, v3, vm0, $0xb8;
	[tilespmem:$0x10080] =	vst v63  }
0x191: {  	s26 =	simm.s32 $0xF880  }
0x192: {  	[tilespmem:s26], [sflag:$0x1] =	stream.indirect_vreg.gather [hbm4b:s6+s3], $0x80, v3, vm0, $0xb8;
	[tilespmem:$0x10080] =	vst v63  }
0x193: {  	_ =	swait.ge [sflag:s18], $0x10000  }
0x194: {  	p0 =	sne.s32 s7, $0x1;
	[sflag:s18] =	ssyncset.done $0x0  }
.Ltmp0:
0x195: {  	s31 =	rddreg [dreg:$0xb];
	[sflag:s18] =	ssyncadd.s32 $0xFFFF0000;
	(pc) =	sbr.rel @p0 .LBB2_1-.Ltmp0, $4  }
0x196: {  	[hbm4b:s31+s3] =	stream.linear.scatter [tilespmem:s23], [sflag:$0x2], $0x10000, $0x38;
	[tilespmem:$0x10080] =	vst v63  }
0x197: {  	_ =	swait.ge [sflag:s8], $0x10000  }
0x198: {  	[sflag:s8] =	ssyncset.done $0x0  }
0x199: {  	s7 =	sadd.s32 $0xFFFFFFFF, s7;
	[sflag:s8] =	ssyncadd.s32 $0xFFFF0000  }
0x19a: {  	_ =	sfence.sel $0x180000  }
0x19b: {  	[bflag:$0x0] =	sbarrier.arrive $0xFFFF  }
0x19c: {  	_ =	strace $0x90000047  }
0x19d: {  	s0 =	stileid.u32;
	[bflag:$0x2] =	sbarrier.arrive $0xFFFF  }
0x19e: {  	p0 =	sne.s32 s0, $0x0;
	s0 =	rddreg [dreg:$0x3]  }
0x19f: {  	s0 =	sadd.s32 @!p0 $0x100000, s0  }
0x1a0: {  	[sflag:s0] =	ssyncadd.tile.s32 @!p0 $0x1;
	_ =	shalt  }
.Lfunc_end2:
_tile_overlayer_lowered:
.L_overlay_start_2:
0x1a1: {  	(tag) =	ssettag $0x2  }
0x1a2: {  	s0 =	rddreg [dreg:$0x0];
	s2 =	stileid.u32  }
0x1a3: {  	s1 =	rddreg [dreg:$0x1];
	p0 =	sne.s32 s2, $0x0  }
0x1a4: {  	s3 =	rddreg [dreg:$0x2];
	[bflag:$0x3] =	sbarrier.arrive $0xFFFF;
	s2 =	simm.s32 @!p0 $0x1C02  }
0x1a5: {  	[timem:s3], [sflag:s2] =	dma.local @!p0 [hbm:s0], s1  }
0x1a6: {  	s0 =	simm.s32 @!p0 $0x2  }
0x1a7: {  	_ =	swait.ge @!p0 [sflag:s0], s1  }
0x1a8: {  	s1 =	ssub.s32 @!p0 $0x0, s1;
	[sflag:s0] =	ssyncset.done @!p0 $0x0  }
0x1a9: {  	[sflag:s0] =	ssyncadd.s32 @!p0 s1  }
0x1aa: {  	[bflag:$0x3] =	sbarrier.arrive $0xFFFF  }
0x1ab: {  	_ =	shalt  }

</sc_bundles>
